<compile_context>
chip_gen: v7x
topology: tpu7x:2x2x1
jax: 0.10.2.dev20260603
libtpu: 0.0.44.dev20260713+nightly
codegen_flags: <defaults>
</compile_context>

<pallas_src>
import functools

import jax
import jax.numpy as jnp
from jax import lax
from jax.experimental import pallas as pl
from jax.experimental.pallas import tpu as pltpu
from jax.experimental.pallas import tpu_sc as plsc

_B = 1048576
_GRIDSZ = 256
_MID = 128


_ROWS = 8192
_RB = 1024


def _idx_body(o_ref, v_ref, out_ref):
    o = o_ref[...]
    v = v_ref[...]
    inf = jnp.max(jnp.abs(v), axis=0)
    a = v[0] / inf
    b = v[1] / inf
    c = v[2] / inf
    one = jnp.float32(1.0)
    face = jnp.zeros(a.shape, dtype=jnp.int32)
    for idx, cond in enumerate(
        (a >= one, a <= -one, b >= one, b <= -one, c >= one, c <= -one)
    ):
        face = jnp.where(cond, jnp.int32(idx), face)
    scale = jnp.float32(_GRIDSZ - 1)
    coords = jnp.clip((o / 2 + 0.5) * scale, 0.0, scale).astype(jnp.int32)
    i, j, k = coords[0], coords[1], coords[2]
    phys = (
        ((i * 6 + face) << 16)
        | ((j >> 5) << 13)
        | ((k >> 7) << 12)
        | (((j >> 2) & 7) << 9)
        | ((k & 127) << 2)
        | (j & 3)
    )
    out_ref[...] = phys


def _compute_phys_idx(ot, vt):
    return pl.pallas_call(
        _idx_body,
        out_shape=jax.ShapeDtypeStruct((_ROWS, 128), jnp.int32),
        grid=(_ROWS // _RB,),
        in_specs=[
            pl.BlockSpec((3, _RB, 128), lambda r: (0, r, 0)),
            pl.BlockSpec((3, _RB, 128), lambda r: (0, r, 0)),
        ],
        out_specs=pl.BlockSpec((_RB, 128), lambda r: (r, 0)),
    )(ot, vt)



_NC = 2
_NS = 16
_NW = _NC * _NS
_WROWS = _ROWS // _NW
_KB = 16


_WN = _B // _NW


def _gather_body(bidx_hbm, table_hbm, out_hbm, bidx_v, widx_v, words_v, sem):
    wid = lax.axis_index("s") * _NC + lax.axis_index("c")
    base = wid * _WN

    pltpu.sync_copy(bidx_hbm.at[pl.ds(base, _WN)], bidx_v)

    def comp(g, carry):
        for l in range(8):
            sl = pl.ds(g * 128 + l * 16, 16)
            widx_v[sl] = lax.shift_right_logical(bidx_v[sl], 2)
        return carry

    lax.fori_loop(0, _WN // 128, comp, 0)

    def blk(bI, carry):
        def fire(g, c2):
            sl = pl.ds((bI * _KB + g) * 128, 128)
            pltpu.make_async_copy(
                table_hbm.at[widx_v.at[sl]], words_v.at[sl], sem
            ).start()
            return c2

        lax.fori_loop(0, _KB, fire, 0)

        def drain(g, c2):
            sl = pl.ds((bI * _KB + g) * 128, 128)
            pltpu.make_async_copy(
                table_hbm.at[widx_v.at[sl]], words_v.at[sl], sem
            ).wait()
            return c2

        lax.fori_loop(0, _KB, drain, 0)

        def extr(g, c2):
            for l in range(8):
                sl = pl.ds((bI * _KB + g) * 128 + l * 16, 16)
                bi = bidx_v[sl]
                w = words_v[sl]
                sh = lax.shift_left(jnp.bitwise_and(bi, 3), 3)
                val = jnp.bitwise_and(lax.shift_right_logical(w, sh), 255)
                words_v[sl] = jnp.where(
                    val > _MID, jnp.int32(1), jnp.int32(0)
                )
            return c2

        lax.fori_loop(0, _KB, extr, 0)
        return carry

    lax.fori_loop(0, _WN // (128 * _KB), blk, 0)

    pltpu.sync_copy(words_v, out_hbm.at[pl.ds(base, _WN)])


def _sc_gather(bidx_flat, table):
    f = pl.kernel(
        _gather_body,
        out_type=jax.ShapeDtypeStruct((_B,), jnp.int32),
        mesh=plsc.VectorSubcoreMesh(core_axis_name="c", subcore_axis_name="s"),
        scratch_types=[
            pltpu.VMEM((_WN,), jnp.int32),
            pltpu.VMEM((_WN,), jnp.int32),
            pltpu.VMEM((_WN,), jnp.int32),
            pltpu.SemaphoreType.DMA,
        ],
    )
    return f(bidx_flat, table)




def kernel(norm_ray_origins, viewdirs, cache):
    ot = norm_ray_origins.T.reshape(3, _ROWS, 128)
    vt = viewdirs.T.reshape(3, _ROWS, 128)
    phys_idx = _compute_phys_idx(ot, vt)
    table = jax.lax.bitcast_convert_type(
        cache.reshape(_GRIDSZ, 8, 8, 4, 2, 128, 6)
        .transpose(0, 6, 1, 4, 2, 5, 3),
        jnp.int32,
    ).reshape(_GRIDSZ * _GRIDSZ * _GRIDSZ * 6 // 4)
    out = _sc_gather(phys_idx.reshape(_B), table)
    return out.astype(bool)

# --- scband reference (transcript-rebuilt; emitter-appended) ---
"""Pipeline reference for scband-naive-vis-cache-42563125903445 (READ-ONLY COPY).

The authoritative reference and input builder live on the scoring server;
editing this copy changes nothing except your own understanding.
"""

import jax, jax.numpy as jnp
import numpy as np

GRID_SIZE = 256
MIDPOINT = 128
B = 1048576


def _rays2inds(norm_ray_origins, viewdirs, grid_size):
    mul = 1.0
    # normalize(viewdirs, ord=inf): divide by per-row max-abs
    inf_norm = jnp.max(jnp.abs(viewdirs), axis=-1, keepdims=True)
    sqdirs = mul * viewdirs / inf_norm
    a, b, c = sqdirs[:, 0], sqdirs[:, 1], sqdirs[:, 2]
    face_index = jnp.zeros(viewdirs.shape[0], dtype=jnp.int32)
    conds = [a >= mul, a <= -mul, b >= mul, b <= -mul, c >= mul, c <= -mul]
    for idx, cond in enumerate(conds):
        # sequential overwrite semantics: later conditions win, matching torch loop
        face_index = jnp.where(cond, jnp.int32(idx), face_index)
    coords = jnp.clip((norm_ray_origins / 2 + 0.5) * (grid_size - 1), 0, grid_size - 1).astype(jnp.int32)
    return coords[..., 0], coords[..., 1], coords[..., 2], face_index


def setup_inputs(seed: int = 0) -> dict:
    key = jax.random.key(seed)
    k1, k2 = jax.random.split(key)
    norm_ray_origins = jax.random.uniform(k1, (B, 3), dtype=jnp.float32)
    viewdirs = jax.random.normal(k2, (B, 3), dtype=jnp.float32)
    # buffer: midpoint-initialized uint8 visibility cache, shape [G, G, G, 6]
    cache = jnp.full((GRID_SIZE, GRID_SIZE, GRID_SIZE, 6), MIDPOINT, dtype=jnp.uint8)
    return {"norm_ray_origins": norm_ray_origins, "viewdirs": viewdirs, "cache": cache}


def reference(norm_ray_origins, viewdirs, cache):
    i, j, k, face_index = _rays2inds(norm_ray_origins, viewdirs, cache.shape[0])
    vals = cache[i, j, k, face_index]
    return vals > MIDPOINT

if __name__ == "__main__":
    import jax
    _d = setup_inputs()
    print(jax.jit(kernel)(*tuple(_d.values())))

</pallas_src>

<mosaic_0001>
#map = affine_map<(d0, d1) -> (0)>
module attributes {stable_mosaic.version = 14 : i64} {
  func.func @_gather_body(%arg0: i32, %arg1: i32, %arg2: memref<1048576xi32, #tpu.memory_space<hbm>>, %arg3: memref<25165824xi32, #tpu.memory_space<hbm>>, %arg4: memref<1048576xi32, #tpu.memory_space<hbm>>, %arg5: memref<32768xi32, #tpu.memory_space<vmem>>, %arg6: memref<32768xi32, #tpu.memory_space<vmem>>, %arg7: memref<32768xi32, #tpu.memory_space<vmem>>, %arg8: memref<!tpu.dma_semaphore, #tpu.memory_space<semaphore_mem>>) attributes {dimension_semantics = [#tpu.dimension_semantics<core_parallel>, #tpu.dimension_semantics<subcore_parallel>], iteration_bounds = array<i64: 2, 16>, scalar_prefetch = 0 : i64, scratch_operands = 4 : i64, tpu.core_type = #tpu.core_type<sc_vector_subcore>, window_params = [{transform_indices = #map}, {transform_indices = #map}, {transform_indices = #map}]} {
    %mul3A = arith.constant 2 : i32
    %mul3A_0 = arith.muli %arg1, %mul3A : i32
    %add3A = arith.addi %mul3A_0, %arg0 : i32
    %mul3A_1 = arith.constant 32768 : i32
    %mul3A_2 = arith.muli %add3A, %mul3A_1 : i32
    "tpu.region"() ({
      %run_scoped3A = tpu.sem_alloc : memref<!tpu.dma_semaphore, #tpu.memory_space<semaphore_mem>>
      %dma_start3A = tpu.memref_slice %arg2[%mul3A_2] : memref<1048576xi32, #tpu.memory_space<hbm>> -> memref<32768xi32, #tpu.memory_space<hbm>>
      %dma_start3A_14 = tpu.memref_slice %arg2[%mul3A_2] : memref<1048576xi32, #tpu.memory_space<hbm>> -> memref<32768xi32, #tpu.memory_space<hbm>>
      tpu.enqueue_dma source(%dma_start3A_14 : memref<32768xi32, #tpu.memory_space<hbm>>) target(%arg5 : memref<32768xi32, #tpu.memory_space<vmem>>) target_semaphore(%run_scoped3A : memref<!tpu.dma_semaphore, #tpu.memory_space<semaphore_mem>>)
      %dma_wait3A = tpu.memref_slice %arg2[%mul3A_2] : memref<1048576xi32, #tpu.memory_space<hbm>> -> memref<32768xi32, #tpu.memory_space<hbm>>
      %dma_wait3A_15 = tpu.memref_slice %arg2[%mul3A_2] : memref<1048576xi32, #tpu.memory_space<hbm>> -> memref<32768xi32, #tpu.memory_space<hbm>>
      tpu.wait_dma2 semaphore(%run_scoped3A : memref<!tpu.dma_semaphore, #tpu.memory_space<semaphore_mem>>) src(%dma_wait3A_15 : memref<32768xi32, #tpu.memory_space<hbm>>) dst(%arg5 : memref<32768xi32, #tpu.memory_space<vmem>>)
      tpu.yield
    }) : () -> ()
    %scan3A = arith.constant 0 : i32
    %scan3A_3 = arith.constant 0 : i32
    %scan3A_4 = arith.constant 256 : i32
    %scan3A_5 = arith.addi %scan3A_3, %scan3A_4 : i32
    %scan3A_6 = arith.constant 1 : i32
    scf.for %scan3A_14 = %scan3A_3 to %scan3A_5 step %scan3A_6  : i32 {
      %mul3A_15 = arith.constant 128 : i32
      %mul3A_16 = arith.muli %scan3A_14, %mul3A_15 : i32
      %add3A_17 = arith.constant 0 : i32
      %add3A_18 = arith.addi %mul3A_16, %add3A_17 : i32
      %get3A = arith.index_cast %add3A_18 : i32 to index
      %get3A_19 = tpu.vector_load %arg5[%get3A] {strides = array<i32>} : memref<32768xi32, #tpu.memory_space<vmem>>, vector<16xi32>,
      %get3A_20 = vector.shape_cast %get3A_19 : vector<16xi32> to vector<16xi32>
      %shift_right_logical3A = arith.constant 2 : i32
      %shift_right_logical3A_21 = vector.broadcast %shift_right_logical3A : i32 to vector<16xi32>
      %shift_right_logical3A_22 = arith.shrui %get3A_20, %shift_right_logical3A_21 : vector<16xi32>
      %swap3A = arith.index_cast %add3A_18 : i32 to index
      %swap3A_23 = tpu.vector_load %arg6[%swap3A] {strides = array<i32>} : memref<32768xi32, #tpu.memory_space<vmem>>, vector<16xi32>,
      %swap3A_24 = vector.shape_cast %swap3A_23 : vector<16xi32> to vector<16xi32>
      %swap3A_25 = vector.shape_cast %shift_right_logical3A_22 : vector<16xi32> to vector<16xi32>
      tpu.vector_store %arg6[%swap3A], %swap3A_25 {strides = array<i32>} : memref<32768xi32, #tpu.memory_space<vmem>>, vector<16xi32>,
      %mul3A_26 = arith.constant 128 : i32
      %mul3A_27 = arith.muli %scan3A_14, %mul3A_26 : i32
      %add3A_28 = arith.constant 16 : i32
      %add3A_29 = arith.addi %mul3A_27, %add3A_28 : i32
      %get3A_30 = arith.index_cast %add3A_29 : i32 to index
      %get3A_31 = tpu.vector_load %arg5[%get3A_30] {strides = array<i32>} : memref<32768xi32, #tpu.memory_space<vmem>>, vector<16xi32>,
      %get3A_32 = vector.shape_cast %get3A_31 : vector<16xi32> to vector<16xi32>
      %shift_right_logical3A_33 = arith.constant 2 : i32
      %shift_right_logical3A_34 = vector.broadcast %shift_right_logical3A_33 : i32 to vector<16xi32>
      %shift_right_logical3A_35 = arith.shrui %get3A_32, %shift_right_logical3A_34 : vector<16xi32>
      %swap3A_36 = arith.index_cast %add3A_29 : i32 to index
      %swap3A_37 = tpu.vector_load %arg6[%swap3A_36] {strides = array<i32>} : memref<32768xi32, #tpu.memory_space<vmem>>, vector<16xi32>,
      %swap3A_38 = vector.shape_cast %swap3A_37 : vector<16xi32> to vector<16xi32>
      %swap3A_39 = vector.shape_cast %shift_right_logical3A_35 : vector<16xi32> to vector<16xi32>
      tpu.vector_store %arg6[%swap3A_36], %swap3A_39 {strides = array<i32>} : memref<32768xi32, #tpu.memory_space<vmem>>, vector<16xi32>,
      %mul3A_40 = arith.constant 128 : i32
      %mul3A_41 = arith.muli %scan3A_14, %mul3A_40 : i32
      %add3A_42 = arith.constant 32 : i32
      %add3A_43 = arith.addi %mul3A_41, %add3A_42 : i32
      %get3A_44 = arith.index_cast %add3A_43 : i32 to index
      %get3A_45 = tpu.vector_load %arg5[%get3A_44] {strides = array<i32>} : memref<32768xi32, #tpu.memory_space<vmem>>, vector<16xi32>,
      %get3A_46 = vector.shape_cast %get3A_45 : vector<16xi32> to vector<16xi32>
      %shift_right_logical3A_47 = arith.constant 2 : i32
      %shift_right_logical3A_48 = vector.broadcast %shift_right_logical3A_47 : i32 to vector<16xi32>
      %shift_right_logical3A_49 = arith.shrui %get3A_46, %shift_right_logical3A_48 : vector<16xi32>
      %swap3A_50 = arith.index_cast %add3A_43 : i32 to index
      %swap3A_51 = tpu.vector_load %arg6[%swap3A_50] {strides = array<i32>} : memref<32768xi32, #tpu.memory_space<vmem>>, vector<16xi32>,
      %swap3A_52 = vector.shape_cast %swap3A_51 : vector<16xi32> to vector<16xi32>
      %swap3A_53 = vector.shape_cast %shift_right_logical3A_49 : vector<16xi32> to vector<16xi32>
      tpu.vector_store %arg6[%swap3A_50], %swap3A_53 {strides = array<i32>} : memref<32768xi32, #tpu.memory_space<vmem>>, vector<16xi32>,
      %mul3A_54 = arith.constant 128 : i32
      %mul3A_55 = arith.muli %scan3A_14, %mul3A_54 : i32
      %add3A_56 = arith.constant 48 : i32
      %add3A_57 = arith.addi %mul3A_55, %add3A_56 : i32
      %get3A_58 = arith.index_cast %add3A_57 : i32 to index
      %get3A_59 = tpu.vector_load %arg5[%get3A_58] {strides = array<i32>} : memref<32768xi32, #tpu.memory_space<vmem>>, vector<16xi32>,
      %get3A_60 = vector.shape_cast %get3A_59 : vector<16xi32> to vector<16xi32>
      %shift_right_logical3A_61 = arith.constant 2 : i32
      %shift_right_logical3A_62 = vector.broadcast %shift_right_logical3A_61 : i32 to vector<16xi32>
      %shift_right_logical3A_63 = arith.shrui %get3A_60, %shift_right_logical3A_62 : vector<16xi32>
      %swap3A_64 = arith.index_cast %add3A_57 : i32 to index
      %swap3A_65 = tpu.vector_load %arg6[%swap3A_64] {strides = array<i32>} : memref<32768xi32, #tpu.memory_space<vmem>>, vector<16xi32>,
      %swap3A_66 = vector.shape_cast %swap3A_65 : vector<16xi32> to vector<16xi32>
      %swap3A_67 = vector.shape_cast %shift_right_logical3A_63 : vector<16xi32> to vector<16xi32>
      tpu.vector_store %arg6[%swap3A_64], %swap3A_67 {strides = array<i32>} : memref<32768xi32, #tpu.memory_space<vmem>>, vector<16xi32>,
      %mul3A_68 = arith.constant 128 : i32
      %mul3A_69 = arith.muli %scan3A_14, %mul3A_68 : i32
      %add3A_70 = arith.constant 64 : i32
      %add3A_71 = arith.addi %mul3A_69, %add3A_70 : i32
      %get3A_72 = arith.index_cast %add3A_71 : i32 to index
      %get3A_73 = tpu.vector_load %arg5[%get3A_72] {strides = array<i32>} : memref<32768xi32, #tpu.memory_space<vmem>>, vector<16xi32>,
      %get3A_74 = vector.shape_cast %get3A_73 : vector<16xi32> to vector<16xi32>
      %shift_right_logical3A_75 = arith.constant 2 : i32
      %shift_right_logical3A_76 = vector.broadcast %shift_right_logical3A_75 : i32 to vector<16xi32>
      %shift_right_logical3A_77 = arith.shrui %get3A_74, %shift_right_logical3A_76 : vector<16xi32>
      %swap3A_78 = arith.index_cast %add3A_71 : i32 to index
      %swap3A_79 = tpu.vector_load %arg6[%swap3A_78] {strides = array<i32>} : memref<32768xi32, #tpu.memory_space<vmem>>, vector<16xi32>,
      %swap3A_80 = vector.shape_cast %swap3A_79 : vector<16xi32> to vector<16xi32>
      %swap3A_81 = vector.shape_cast %shift_right_logical3A_77 : vector<16xi32> to vector<16xi32>
      tpu.vector_store %arg6[%swap3A_78], %swap3A_81 {strides = array<i32>} : memref<32768xi32, #tpu.memory_space<vmem>>, vector<16xi32>,
      %mul3A_82 = arith.constant 128 : i32
      %mul3A_83 = arith.muli %scan3A_14, %mul3A_82 : i32
      %add3A_84 = arith.constant 80 : i32
      %add3A_85 = arith.addi %mul3A_83, %add3A_84 : i32
      %get3A_86 = arith.index_cast %add3A_85 : i32 to index
      %get3A_87 = tpu.vector_load %arg5[%get3A_86] {strides = array<i32>} : memref<32768xi32, #tpu.memory_space<vmem>>, vector<16xi32>,
      %get3A_88 = vector.shape_cast %get3A_87 : vector<16xi32> to vector<16xi32>
      %shift_right_logical3A_89 = arith.constant 2 : i32
      %shift_right_logical3A_90 = vector.broadcast %shift_right_logical3A_89 : i32 to vector<16xi32>
      %shift_right_logical3A_91 = arith.shrui %get3A_88, %shift_right_logical3A_90 : vector<16xi32>
      %swap3A_92 = arith.index_cast %add3A_85 : i32 to index
      %swap3A_93 = tpu.vector_load %arg6[%swap3A_92] {strides = array<i32>} : memref<32768xi32, #tpu.memory_space<vmem>>, vector<16xi32>,
      %swap3A_94 = vector.shape_cast %swap3A_93 : vector<16xi32> to vector<16xi32>
      %swap3A_95 = vector.shape_cast %shift_right_logical3A_91 : vector<16xi32> to vector<16xi32>
      tpu.vector_store %arg6[%swap3A_92], %swap3A_95 {strides = array<i32>} : memref<32768xi32, #tpu.memory_space<vmem>>, vector<16xi32>,
      %mul3A_96 = arith.constant 128 : i32
      %mul3A_97 = arith.muli %scan3A_14, %mul3A_96 : i32
      %add3A_98 = arith.constant 96 : i32
      %add3A_99 = arith.addi %mul3A_97, %add3A_98 : i32
      %get3A_100 = arith.index_cast %add3A_99 : i32 to index
      %get3A_101 = tpu.vector_load %arg5[%get3A_100] {strides = array<i32>} : memref<32768xi32, #tpu.memory_space<vmem>>, vector<16xi32>,
      %get3A_102 = vector.shape_cast %get3A_101 : vector<16xi32> to vector<16xi32>
      %shift_right_logical3A_103 = arith.constant 2 : i32
      %shift_right_logical3A_104 = vector.broadcast %shift_right_logical3A_103 : i32 to vector<16xi32>
      %shift_right_logical3A_105 = arith.shrui %get3A_102, %shift_right_logical3A_104 : vector<16xi32>
      %swap3A_106 = arith.index_cast %add3A_99 : i32 to index
      %swap3A_107 = tpu.vector_load %arg6[%swap3A_106] {strides = array<i32>} : memref<32768xi32, #tpu.memory_space<vmem>>, vector<16xi32>,
      %swap3A_108 = vector.shape_cast %swap3A_107 : vector<16xi32> to vector<16xi32>
      %swap3A_109 = vector.shape_cast %shift_right_logical3A_105 : vector<16xi32> to vector<16xi32>
      tpu.vector_store %arg6[%swap3A_106], %swap3A_109 {strides = array<i32>} : memref<32768xi32, #tpu.memory_space<vmem>>, vector<16xi32>,
      %mul3A_110 = arith.constant 128 : i32
      %mul3A_111 = arith.muli %scan3A_14, %mul3A_110 : i32
      %add3A_112 = arith.constant 112 : i32
      %add3A_113 = arith.addi %mul3A_111, %add3A_112 : i32
      %get3A_114 = arith.index_cast %add3A_113 : i32 to index
      %get3A_115 = tpu.vector_load %arg5[%get3A_114] {strides = array<i32>} : memref<32768xi32, #tpu.memory_space<vmem>>, vector<16xi32>,
      %get3A_116 = vector.shape_cast %get3A_115 : vector<16xi32> to vector<16xi32>
      %shift_right_logical3A_117 = arith.constant 2 : i32
      %shift_right_logical3A_118 = vector.broadcast %shift_right_logical3A_117 : i32 to vector<16xi32>
      %shift_right_logical3A_119 = arith.shrui %get3A_116, %shift_right_logical3A_118 : vector<16xi32>
      %swap3A_120 = arith.index_cast %add3A_113 : i32 to index
      %swap3A_121 = tpu.vector_load %arg6[%swap3A_120] {strides = array<i32>} : memref<32768xi32, #tpu.memory_space<vmem>>, vector<16xi32>,
      %swap3A_122 = vector.shape_cast %swap3A_121 : vector<16xi32> to vector<16xi32>
      %swap3A_123 = vector.shape_cast %shift_right_logical3A_119 : vector<16xi32> to vector<16xi32>
      tpu.vector_store %arg6[%swap3A_120], %swap3A_123 {strides = array<i32>} : memref<32768xi32, #tpu.memory_space<vmem>>, vector<16xi32>,
    }
    %scan3A_7 = arith.constant 256 : i32
    %scan3A_8 = arith.constant 0 : i32
    %scan3A_9 = arith.constant 0 : i32
    %scan3A_10 = arith.constant 16 : i32
    %scan3A_11 = arith.addi %scan3A_9, %scan3A_10 : i32
    %scan3A_12 = arith.constant 1 : i32
    scf.for %scan3A_14 = %scan3A_9 to %scan3A_11 step %scan3A_12  : i32 {
      %scan3A_15 = arith.constant 0 : i32
      %scan3A_16 = arith.constant 0 : i32
      %scan3A_17 = arith.constant 16 : i32
      %scan3A_18 = arith.addi %scan3A_16, %scan3A_17 : i32
      %scan3A_19 = arith.constant 1 : i32
      scf.for %scan3A_33 = %scan3A_16 to %scan3A_18 step %scan3A_19  : i32 {
        %mul3A_34 = arith.constant 16 : i32
        %mul3A_35 = arith.muli %scan3A_14, %mul3A_34 : i32
        %add3A_36 = arith.addi %mul3A_35, %scan3A_33 : i32
        %mul3A_37 = arith.constant 128 : i32
        %mul3A_38 = arith.muli %add3A_36, %mul3A_37 : i32
        %dma_start3A = tpu.memref_slice %arg7[%mul3A_38] : memref<32768xi32, #tpu.memory_space<vmem>> -> memref<128xi32, #tpu.memory_space<vmem>>
        %dma_start3A_39 = tpu.memref_slice %arg6[%mul3A_38] : memref<32768xi32, #tpu.memory_space<vmem>> -> memref<128xi32, #tpu.memory_space<vmem>>
        %dma_start3A_40 = arith.constant 0 : i32
        %dma_start3A_41 = tpu.memref_slice %arg3[%dma_start3A_40] : memref<25165824xi32, #tpu.memory_space<hbm>> -> memref<25165824xi32, #tpu.memory_space<hbm>>
        tpu.enqueue_indirect_dma source(%dma_start3A_41 : memref<25165824xi32, #tpu.memory_space<hbm>>) target(%dma_start3A : memref<128xi32, #tpu.memory_space<vmem>>) offsets(%dma_start3A_39 : memref<128xi32, #tpu.memory_space<vmem>>) semaphore(%arg8 : memref<!tpu.dma_semaphore, #tpu.memory_space<semaphore_mem>>)
      }
      %scan3A_20 = arith.constant 16 : i32
      %scan3A_21 = arith.constant 0 : i32
      %scan3A_22 = arith.constant 0 : i32
      %scan3A_23 = arith.constant 16 : i32
      %scan3A_24 = arith.addi %scan3A_22, %scan3A_23 : i32
      %scan3A_25 = arith.constant 1 : i32
      scf.for %scan3A_33 = %scan3A_22 to %scan3A_24 step %scan3A_25  : i32 {
        %mul3A_34 = arith.constant 16 : i32
        %mul3A_35 = arith.muli %scan3A_14, %mul3A_34 : i32
        %add3A_36 = arith.addi %mul3A_35, %scan3A_33 : i32
        %mul3A_37 = arith.constant 128 : i32
        %mul3A_38 = arith.muli %add3A_36, %mul3A_37 : i32
        %dma_wait3A = tpu.memref_slice %arg7[%mul3A_38] : memref<32768xi32, #tpu.memory_space<vmem>> -> memref<128xi32, #tpu.memory_space<vmem>>
        %dma_wait3A_39 = tpu.memref_slice %arg6[%mul3A_38] : memref<32768xi32, #tpu.memory_space<vmem>> -> memref<128xi32, #tpu.memory_space<vmem>>
        %dma_wait3A_40 = arith.constant 0 : i32
        %dma_wait3A_41 = tpu.memref_slice %arg3[%dma_wait3A_40] : memref<25165824xi32, #tpu.memory_space<hbm>> -> memref<25165824xi32, #tpu.memory_space<hbm>>
        tpu.wait_indirect_dma semaphore(%arg8 : memref<!tpu.dma_semaphore, #tpu.memory_space<semaphore_mem>>) src(%dma_wait3A_41 : memref<25165824xi32, #tpu.memory_space<hbm>>) dst(%dma_wait3A : memref<128xi32, #tpu.memory_space<vmem>>)
      }
      %scan3A_26 = arith.constant 16 : i32
      %scan3A_27 = arith.constant 0 : i32
      %scan3A_28 = arith.constant 0 : i32
      %scan3A_29 = arith.constant 16 : i32
      %scan3A_30 = arith.addi %scan3A_28, %scan3A_29 : i32
      %scan3A_31 = arith.constant 1 : i32
      scf.for %scan3A_33 = %scan3A_28 to %scan3A_30 step %scan3A_31  : i32 {
        %mul3A_34 = arith.constant 16 : i32
        %mul3A_35 = arith.muli %scan3A_14, %mul3A_34 : i32
        %add3A_36 = arith.addi %mul3A_35, %scan3A_33 : i32
        %mul3A_37 = arith.constant 128 : i32
        %mul3A_38 = arith.muli %add3A_36, %mul3A_37 : i32
        %add3A_39 = arith.constant 0 : i32
        %add3A_40 = arith.addi %mul3A_38, %add3A_39 : i32
        %get3A = arith.index_cast %add3A_40 : i32 to index
        %get3A_41 = tpu.vector_load %arg5[%get3A] {strides = array<i32>} : memref<32768xi32, #tpu.memory_space<vmem>>, vector<16xi32>,
        %get3A_42 = vector.shape_cast %get3A_41 : vector<16xi32> to vector<16xi32>
        %get3A_43 = arith.index_cast %add3A_40 : i32 to index
        %get3A_44 = tpu.vector_load %arg7[%get3A_43] {strides = array<i32>} : memref<32768xi32, #tpu.memory_space<vmem>>, vector<16xi32>,
        %get3A_45 = vector.shape_cast %get3A_44 : vector<16xi32> to vector<16xi32>
        %and3A = arith.constant 3 : i32
        %and3A_46 = vector.broadcast %and3A : i32 to vector<16xi32>
        %and3A_47 = arith.andi %get3A_42, %and3A_46 : vector<16xi32>
        %shift_left3A = arith.constant 3 : i32
        %shift_left3A_48 = vector.broadcast %shift_left3A : i32 to vector<16xi32>
        %shift_left3A_49 = arith.shli %and3A_47, %shift_left3A_48 : vector<16xi32>
        %shift_right_logical3A = arith.shrui %get3A_45, %shift_left3A_49 : vector<16xi32>
        %and3A_50 = arith.constant 255 : i32
        %and3A_51 = vector.broadcast %and3A_50 : i32 to vector<16xi32>
        %and3A_52 = arith.andi %shift_right_logical3A, %and3A_51 : vector<16xi32>
        %gt3A = arith.constant 128 : i32
        %gt3A_53 = vector.broadcast %gt3A : i32 to vector<16xi32>
        %gt3A_54 = arith.cmpi sgt, %and3A_52, %gt3A_53 : vector<16xi32>
        %jit3A = arith.constant 1 : i32
        %jit3A_55 = arith.constant 0 : i32
        %broadcast_in_dim3A = vector.broadcast %jit3A : i32 to vector<16xi32>
        %broadcast_in_dim3A_56 = vector.broadcast %jit3A_55 : i32 to vector<16xi32>
        %select_n3A = arith.select %gt3A_54, %broadcast_in_dim3A, %broadcast_in_dim3A_56 : vector<16xi1>, vector<16xi32>
        %swap3A = arith.index_cast %add3A_40 : i32 to index
        %swap3A_57 = tpu.vector_load %arg7[%swap3A] {strides = array<i32>} : memref<32768xi32, #tpu.memory_space<vmem>>, vector<16xi32>,
        %swap3A_58 = vector.shape_cast %swap3A_57 : vector<16xi32> to vector<16xi32>
        %swap3A_59 = vector.shape_cast %select_n3A : vector<16xi32> to vector<16xi32>
        tpu.vector_store %arg7[%swap3A], %swap3A_59 {strides = array<i32>} : memref<32768xi32, #tpu.memory_space<vmem>>, vector<16xi32>,
        %mul3A_60 = arith.constant 16 : i32
        %mul3A_61 = arith.muli %scan3A_14, %mul3A_60 : i32
        %add3A_62 = arith.addi %mul3A_61, %scan3A_33 : i32
        %mul3A_63 = arith.constant 128 : i32
        %mul3A_64 = arith.muli %add3A_62, %mul3A_63 : i32
        %add3A_65 = arith.constant 16 : i32
        %add3A_66 = arith.addi %mul3A_64, %add3A_65 : i32
        %get3A_67 = arith.index_cast %add3A_66 : i32 to index
        %get3A_68 = tpu.vector_load %arg5[%get3A_67] {strides = array<i32>} : memref<32768xi32, #tpu.memory_space<vmem>>, vector<16xi32>,
        %get3A_69 = vector.shape_cast %get3A_68 : vector<16xi32> to vector<16xi32>
        %get3A_70 = arith.index_cast %add3A_66 : i32 to index
        %get3A_71 = tpu.vector_load %arg7[%get3A_70] {strides = array<i32>} : memref<32768xi32, #tpu.memory_space<vmem>>, vector<16xi32>,
        %get3A_72 = vector.shape_cast %get3A_71 : vector<16xi32> to vector<16xi32>
        %and3A_73 = arith.constant 3 : i32
        %and3A_74 = vector.broadcast %and3A_73 : i32 to vector<16xi32>
        %and3A_75 = arith.andi %get3A_69, %and3A_74 : vector<16xi32>
        %shift_left3A_76 = arith.constant 3 : i32
        %shift_left3A_77 = vector.broadcast %shift_left3A_76 : i32 to vector<16xi32>
        %shift_left3A_78 = arith.shli %and3A_75, %shift_left3A_77 : vector<16xi32>
        %shift_right_logical3A_79 = arith.shrui %get3A_72, %shift_left3A_78 : vector<16xi32>
        %and3A_80 = arith.constant 255 : i32
        %and3A_81 = vector.broadcast %and3A_80 : i32 to vector<16xi32>
        %and3A_82 = arith.andi %shift_right_logical3A_79, %and3A_81 : vector<16xi32>
        %gt3A_83 = arith.constant 128 : i32
        %gt3A_84 = vector.broadcast %gt3A_83 : i32 to vector<16xi32>
        %gt3A_85 = arith.cmpi sgt, %and3A_82, %gt3A_84 : vector<16xi32>
        %jit3A_86 = arith.constant 1 : i32
        %jit3A_87 = arith.constant 0 : i32
        %broadcast_in_dim3A_88 = vector.broadcast %jit3A_86 : i32 to vector<16xi32>
        %broadcast_in_dim3A_89 = vector.broadcast %jit3A_87 : i32 to vector<16xi32>
        %select_n3A_90 = arith.select %gt3A_85, %broadcast_in_dim3A_88, %broadcast_in_dim3A_89 : vector<16xi1>, vector<16xi32>
        %swap3A_91 = arith.index_cast %add3A_66 : i32 to index
        %swap3A_92 = tpu.vector_load %arg7[%swap3A_91] {strides = array<i32>} : memref<32768xi32, #tpu.memory_space<vmem>>, vector<16xi32>,
        %swap3A_93 = vector.shape_cast %swap3A_92 : vector<16xi32> to vector<16xi32>
        %swap3A_94 = vector.shape_cast %select_n3A_90 : vector<16xi32> to vector<16xi32>
        tpu.vector_store %arg7[%swap3A_91], %swap3A_94 {strides = array<i32>} : memref<32768xi32, #tpu.memory_space<vmem>>, vector<16xi32>,
        %mul3A_95 = arith.constant 16 : i32
        %mul3A_96 = arith.muli %scan3A_14, %mul3A_95 : i32
        %add3A_97 = arith.addi %mul3A_96, %scan3A_33 : i32
        %mul3A_98 = arith.constant 128 : i32
        %mul3A_99 = arith.muli %add3A_97, %mul3A_98 : i32
        %add3A_100 = arith.constant 32 : i32
        %add3A_101 = arith.addi %mul3A_99, %add3A_100 : i32
        %get3A_102 = arith.index_cast %add3A_101 : i32 to index
        %get3A_103 = tpu.vector_load %arg5[%get3A_102] {strides = array<i32>} : memref<32768xi32, #tpu.memory_space<vmem>>, vector<16xi32>,
        %get3A_104 = vector.shape_cast %get3A_103 : vector<16xi32> to vector<16xi32>
        %get3A_105 = arith.index_cast %add3A_101 : i32 to index
        %get3A_106 = tpu.vector_load %arg7[%get3A_105] {strides = array<i32>} : memref<32768xi32, #tpu.memory_space<vmem>>, vector<16xi32>,
        %get3A_107 = vector.shape_cast %get3A_106 : vector<16xi32> to vector<16xi32>
        %and3A_108 = arith.constant 3 : i32
        %and3A_109 = vector.broadcast %and3A_108 : i32 to vector<16xi32>
        %and3A_110 = arith.andi %get3A_104, %and3A_109 : vector<16xi32>
        %shift_left3A_111 = arith.constant 3 : i32
        %shift_left3A_112 = vector.broadcast %shift_left3A_111 : i32 to vector<16xi32>
        %shift_left3A_113 = arith.shli %and3A_110, %shift_left3A_112 : vector<16xi32>
        %shift_right_logical3A_114 = arith.shrui %get3A_107, %shift_left3A_113 : vector<16xi32>
        %and3A_115 = arith.constant 255 : i32
        %and3A_116 = vector.broadcast %and3A_115 : i32 to vector<16xi32>
        %and3A_117 = arith.andi %shift_right_logical3A_114, %and3A_116 : vector<16xi32>
        %gt3A_118 = arith.constant 128 : i32
        %gt3A_119 = vector.broadcast %gt3A_118 : i32 to vector<16xi32>
        %gt3A_120 = arith.cmpi sgt, %and3A_117, %gt3A_119 : vector<16xi32>
        %jit3A_121 = arith.constant 1 : i32
        %jit3A_122 = arith.constant 0 : i32
        %broadcast_in_dim3A_123 = vector.broadcast %jit3A_121 : i32 to vector<16xi32>
        %broadcast_in_dim3A_124 = vector.broadcast %jit3A_122 : i32 to vector<16xi32>
        %select_n3A_125 = arith.select %gt3A_120, %broadcast_in_dim3A_123, %broadcast_in_dim3A_124 : vector<16xi1>, vector<16xi32>
        %swap3A_126 = arith.index_cast %add3A_101 : i32 to index
        %swap3A_127 = tpu.vector_load %arg7[%swap3A_126] {strides = array<i32>} : memref<32768xi32, #tpu.memory_space<vmem>>, vector<16xi32>,
        %swap3A_128 = vector.shape_cast %swap3A_127 : vector<16xi32> to vector<16xi32>
        %swap3A_129 = vector.shape_cast %select_n3A_125 : vector<16xi32> to vector<16xi32>
        tpu.vector_store %arg7[%swap3A_126], %swap3A_129 {strides = array<i32>} : memref<32768xi32, #tpu.memory_space<vmem>>, vector<16xi32>,
        %mul3A_130 = arith.constant 16 : i32
        %mul3A_131 = arith.muli %scan3A_14, %mul3A_130 : i32
        %add3A_132 = arith.addi %mul3A_131, %scan3A_33 : i32
        %mul3A_133 = arith.constant 128 : i32
        %mul3A_134 = arith.muli %add3A_132, %mul3A_133 : i32
        %add3A_135 = arith.constant 48 : i32
        %add3A_136 = arith.addi %mul3A_134, %add3A_135 : i32
        %get3A_137 = arith.index_cast %add3A_136 : i32 to index
        %get3A_138 = tpu.vector_load %arg5[%get3A_137] {strides = array<i32>} : memref<32768xi32, #tpu.memory_space<vmem>>, vector<16xi32>,
        %get3A_139 = vector.shape_cast %get3A_138 : vector<16xi32> to vector<16xi32>
        %get3A_140 = arith.index_cast %add3A_136 : i32 to index
        %get3A_141 = tpu.vector_load %arg7[%get3A_140] {strides = array<i32>} : memref<32768xi32, #tpu.memory_space<vmem>>, vector<16xi32>,
        %get3A_142 = vector.shape_cast %get3A_141 : vector<16xi32> to vector<16xi32>
        %and3A_143 = arith.constant 3 : i32
        %and3A_144 = vector.broadcast %and3A_143 : i32 to vector<16xi32>
        %and3A_145 = arith.andi %get3A_139, %and3A_144 : vector<16xi32>
        %shift_left3A_146 = arith.constant 3 : i32
        %shift_left3A_147 = vector.broadcast %shift_left3A_146 : i32 to vector<16xi32>
        %shift_left3A_148 = arith.shli %and3A_145, %shift_left3A_147 : vector<16xi32>
        %shift_right_logical3A_149 = arith.shrui %get3A_142, %shift_left3A_148 : vector<16xi32>
        %and3A_150 = arith.constant 255 : i32
        %and3A_151 = vector.broadcast %and3A_150 : i32 to vector<16xi32>
        %and3A_152 = arith.andi %shift_right_logical3A_149, %and3A_151 : vector<16xi32>
        %gt3A_153 = arith.constant 128 : i32
        %gt3A_154 = vector.broadcast %gt3A_153 : i32 to vector<16xi32>
        %gt3A_155 = arith.cmpi sgt, %and3A_152, %gt3A_154 : vector<16xi32>
        %jit3A_156 = arith.constant 1 : i32
        %jit3A_157 = arith.constant 0 : i32
        %broadcast_in_dim3A_158 = vector.broadcast %jit3A_156 : i32 to vector<16xi32>
        %broadcast_in_dim3A_159 = vector.broadcast %jit3A_157 : i32 to vector<16xi32>
        %select_n3A_160 = arith.select %gt3A_155, %broadcast_in_dim3A_158, %broadcast_in_dim3A_159 : vector<16xi1>, vector<16xi32>
        %swap3A_161 = arith.index_cast %add3A_136 : i32 to index
        %swap3A_162 = tpu.vector_load %arg7[%swap3A_161] {strides = array<i32>} : memref<32768xi32, #tpu.memory_space<vmem>>, vector<16xi32>,
        %swap3A_163 = vector.shape_cast %swap3A_162 : vector<16xi32> to vector<16xi32>
        %swap3A_164 = vector.shape_cast %select_n3A_160 : vector<16xi32> to vector<16xi32>
        tpu.vector_store %arg7[%swap3A_161], %swap3A_164 {strides = array<i32>} : memref<32768xi32, #tpu.memory_space<vmem>>, vector<16xi32>,
        %mul3A_165 = arith.constant 16 : i32
        %mul3A_166 = arith.muli %scan3A_14, %mul3A_165 : i32
        %add3A_167 = arith.addi %mul3A_166, %scan3A_33 : i32
        %mul3A_168 = arith.constant 128 : i32
        %mul3A_169 = arith.muli %add3A_167, %mul3A_168 : i32
        %add3A_170 = arith.constant 64 : i32
        %add3A_171 = arith.addi %mul3A_169, %add3A_170 : i32
        %get3A_172 = arith.index_cast %add3A_171 : i32 to index
        %get3A_173 = tpu.vector_load %arg5[%get3A_172] {strides = array<i32>} : memref<32768xi32, #tpu.memory_space<vmem>>, vector<16xi32>,
        %get3A_174 = vector.shape_cast %get3A_173 : vector<16xi32> to vector<16xi32>
        %get3A_175 = arith.index_cast %add3A_171 : i32 to index
        %get3A_176 = tpu.vector_load %arg7[%get3A_175] {strides = array<i32>} : memref<32768xi32, #tpu.memory_space<vmem>>, vector<16xi32>,
        %get3A_177 = vector.shape_cast %get3A_176 : vector<16xi32> to vector<16xi32>
        %and3A_178 = arith.constant 3 : i32
        %and3A_179 = vector.broadcast %and3A_178 : i32 to vector<16xi32>
        %and3A_180 = arith.andi %get3A_174, %and3A_179 : vector<16xi32>
        %shift_left3A_181 = arith.constant 3 : i32
        %shift_left3A_182 = vector.broadcast %shift_left3A_181 : i32 to vector<16xi32>
        %shift_left3A_183 = arith.shli %and3A_180, %shift_left3A_182 : vector<16xi32>
        %shift_right_logical3A_184 = arith.shrui %get3A_177, %shift_left3A_183 : vector<16xi32>
        %and3A_185 = arith.constant 255 : i32
        %and3A_186 = vector.broadcast %and3A_185 : i32 to vector<16xi32>
        %and3A_187 = arith.andi %shift_right_logical3A_184, %and3A_186 : vector<16xi32>
        %gt3A_188 = arith.constant 128 : i32
        %gt3A_189 = vector.broadcast %gt3A_188 : i32 to vector<16xi32>
        %gt3A_190 = arith.cmpi sgt, %and3A_187, %gt3A_189 : vector<16xi32>
        %jit3A_191 = arith.constant 1 : i32
        %jit3A_192 = arith.constant 0 : i32
        %broadcast_in_dim3A_193 = vector.broadcast %jit3A_191 : i32 to vector<16xi32>
        %broadcast_in_dim3A_194 = vector.broadcast %jit3A_192 : i32 to vector<16xi32>
        %select_n3A_195 = arith.select %gt3A_190, %broadcast_in_dim3A_193, %broadcast_in_dim3A_194 : vector<16xi1>, vector<16xi32>
        %swap3A_196 = arith.index_cast %add3A_171 : i32 to index
        %swap3A_197 = tpu.vector_load %arg7[%swap3A_196] {strides = array<i32>} : memref<32768xi32, #tpu.memory_space<vmem>>, vector<16xi32>,
        %swap3A_198 = vector.shape_cast %swap3A_197 : vector<16xi32> to vector<16xi32>
        %swap3A_199 = vector.shape_cast %select_n3A_195 : vector<16xi32> to vector<16xi32>
        tpu.vector_store %arg7[%swap3A_196], %swap3A_199 {strides = array<i32>} : memref<32768xi32, #tpu.memory_space<vmem>>, vector<16xi32>,
        %mul3A_200 = arith.constant 16 : i32
        %mul3A_201 = arith.muli %scan3A_14, %mul3A_200 : i32
        %add3A_202 = arith.addi %mul3A_201, %scan3A_33 : i32
        %mul3A_203 = arith.constant 128 : i32
        %mul3A_204 = arith.muli %add3A_202, %mul3A_203 : i32
        %add3A_205 = arith.constant 80 : i32
        %add3A_206 = arith.addi %mul3A_204, %add3A_205 : i32
        %get3A_207 = arith.index_cast %add3A_206 : i32 to index
        %get3A_208 = tpu.vector_load %arg5[%get3A_207] {strides = array<i32>} : memref<32768xi32, #tpu.memory_space<vmem>>, vector<16xi32>,
        %get3A_209 = vector.shape_cast %get3A_208 : vector<16xi32> to vector<16xi32>
        %get3A_210 = arith.index_cast %add3A_206 : i32 to index
        %get3A_211 = tpu.vector_load %arg7[%get3A_210] {strides = array<i32>} : memref<32768xi32, #tpu.memory_space<vmem>>, vector<16xi32>,
        %get3A_212 = vector.shape_cast %get3A_211 : vector<16xi32> to vector<16xi32>
        %and3A_213 = arith.constant 3 : i32
        %and3A_214 = vector.broadcast %and3A_213 : i32 to vector<16xi32>
        %and3A_215 = arith.andi %get3A_209, %and3A_214 : vector<16xi32>
        %shift_left3A_216 = arith.constant 3 : i32
        %shift_left3A_217 = vector.broadcast %shift_left3A_216 : i32 to vector<16xi32>
        %shift_left3A_218 = arith.shli %and3A_215, %shift_left3A_217 : vector<16xi32>
        %shift_right_logical3A_219 = arith.shrui %get3A_212, %shift_left3A_218 : vector<16xi32>
        %and3A_220 = arith.constant 255 : i32
        %and3A_221 = vector.broadcast %and3A_220 : i32 to vector<16xi32>
        %and3A_222 = arith.andi %shift_right_logical3A_219, %and3A_221 : vector<16xi32>
        %gt3A_223 = arith.constant 128 : i32
        %gt3A_224 = vector.broadcast %gt3A_223 : i32 to vector<16xi32>
        %gt3A_225 = arith.cmpi sgt, %and3A_222, %gt3A_224 : vector<16xi32>
        %jit3A_226 = arith.constant 1 : i32
        %jit3A_227 = arith.constant 0 : i32
        %broadcast_in_dim3A_228 = vector.broadcast %jit3A_226 : i32 to vector<16xi32>
        %broadcast_in_dim3A_229 = vector.broadcast %jit3A_227 : i32 to vector<16xi32>
        %select_n3A_230 = arith.select %gt3A_225, %broadcast_in_dim3A_228, %broadcast_in_dim3A_229 : vector<16xi1>, vector<16xi32>
        %swap3A_231 = arith.index_cast %add3A_206 : i32 to index
        %swap3A_232 = tpu.vector_load %arg7[%swap3A_231] {strides = array<i32>} : memref<32768xi32, #tpu.memory_space<vmem>>, vector<16xi32>,
        %swap3A_233 = vector.shape_cast %swap3A_232 : vector<16xi32> to vector<16xi32>
        %swap3A_234 = vector.shape_cast %select_n3A_230 : vector<16xi32> to vector<16xi32>
        tpu.vector_store %arg7[%swap3A_231], %swap3A_234 {strides = array<i32>} : memref<32768xi32, #tpu.memory_space<vmem>>, vector<16xi32>,
        %mul3A_235 = arith.constant 16 : i32
        %mul3A_236 = arith.muli %scan3A_14, %mul3A_235 : i32
        %add3A_237 = arith.addi %mul3A_236, %scan3A_33 : i32
        %mul3A_238 = arith.constant 128 : i32
        %mul3A_239 = arith.muli %add3A_237, %mul3A_238 : i32
        %add3A_240 = arith.constant 96 : i32
        %add3A_241 = arith.addi %mul3A_239, %add3A_240 : i32
        %get3A_242 = arith.index_cast %add3A_241 : i32 to index
        %get3A_243 = tpu.vector_load %arg5[%get3A_242] {strides = array<i32>} : memref<32768xi32, #tpu.memory_space<vmem>>, vector<16xi32>,
        %get3A_244 = vector.shape_cast %get3A_243 : vector<16xi32> to vector<16xi32>
        %get3A_245 = arith.index_cast %add3A_241 : i32 to index
        %get3A_246 = tpu.vector_load %arg7[%get3A_245] {strides = array<i32>} : memref<32768xi32, #tpu.memory_space<vmem>>, vector<16xi32>,
        %get3A_247 = vector.shape_cast %get3A_246 : vector<16xi32> to vector<16xi32>
        %and3A_248 = arith.constant 3 : i32
        %and3A_249 = vector.broadcast %and3A_248 : i32 to vector<16xi32>
        %and3A_250 = arith.andi %get3A_244, %and3A_249 : vector<16xi32>
        %shift_left3A_251 = arith.constant 3 : i32
        %shift_left3A_252 = vector.broadcast %shift_left3A_251 : i32 to vector<16xi32>
        %shift_left3A_253 = arith.shli %and3A_250, %shift_left3A_252 : vector<16xi32>
        %shift_right_logical3A_254 = arith.shrui %get3A_247, %shift_left3A_253 : vector<16xi32>
        %and3A_255 = arith.constant 255 : i32
        %and3A_256 = vector.broadcast %and3A_255 : i32 to vector<16xi32>
        %and3A_257 = arith.andi %shift_right_logical3A_254, %and3A_256 : vector<16xi32>
        %gt3A_258 = arith.constant 128 : i32
        %gt3A_259 = vector.broadcast %gt3A_258 : i32 to vector<16xi32>
        %gt3A_260 = arith.cmpi sgt, %and3A_257, %gt3A_259 : vector<16xi32>
        %jit3A_261 = arith.constant 1 : i32
        %jit3A_262 = arith.constant 0 : i32
        %broadcast_in_dim3A_263 = vector.broadcast %jit3A_261 : i32 to vector<16xi32>
        %broadcast_in_dim3A_264 = vector.broadcast %jit3A_262 : i32 to vector<16xi32>
        %select_n3A_265 = arith.select %gt3A_260, %broadcast_in_dim3A_263, %broadcast_in_dim3A_264 : vector<16xi1>, vector<16xi32>
        %swap3A_266 = arith.index_cast %add3A_241 : i32 to index
        %swap3A_267 = tpu.vector_load %arg7[%swap3A_266] {strides = array<i32>} : memref<32768xi32, #tpu.memory_space<vmem>>, vector<16xi32>,
        %swap3A_268 = vector.shape_cast %swap3A_267 : vector<16xi32> to vector<16xi32>
        %swap3A_269 = vector.shape_cast %select_n3A_265 : vector<16xi32> to vector<16xi32>
        tpu.vector_store %arg7[%swap3A_266], %swap3A_269 {strides = array<i32>} : memref<32768xi32, #tpu.memory_space<vmem>>, vector<16xi32>,
        %mul3A_270 = arith.constant 16 : i32
        %mul3A_271 = arith.muli %scan3A_14, %mul3A_270 : i32
        %add3A_272 = arith.addi %mul3A_271, %scan3A_33 : i32
        %mul3A_273 = arith.constant 128 : i32
        %mul3A_274 = arith.muli %add3A_272, %mul3A_273 : i32
        %add3A_275 = arith.constant 112 : i32
        %add3A_276 = arith.addi %mul3A_274, %add3A_275 : i32
        %get3A_277 = arith.index_cast %add3A_276 : i32 to index
        %get3A_278 = tpu.vector_load %arg5[%get3A_277] {strides = array<i32>} : memref<32768xi32, #tpu.memory_space<vmem>>, vector<16xi32>,
        %get3A_279 = vector.shape_cast %get3A_278 : vector<16xi32> to vector<16xi32>
        %get3A_280 = arith.index_cast %add3A_276 : i32 to index
        %get3A_281 = tpu.vector_load %arg7[%get3A_280] {strides = array<i32>} : memref<32768xi32, #tpu.memory_space<vmem>>, vector<16xi32>,
        %get3A_282 = vector.shape_cast %get3A_281 : vector<16xi32> to vector<16xi32>
        %and3A_283 = arith.constant 3 : i32
        %and3A_284 = vector.broadcast %and3A_283 : i32 to vector<16xi32>
        %and3A_285 = arith.andi %get3A_279, %and3A_284 : vector<16xi32>
        %shift_left3A_286 = arith.constant 3 : i32
        %shift_left3A_287 = vector.broadcast %shift_left3A_286 : i32 to vector<16xi32>
        %shift_left3A_288 = arith.shli %and3A_285, %shift_left3A_287 : vector<16xi32>
        %shift_right_logical3A_289 = arith.shrui %get3A_282, %shift_left3A_288 : vector<16xi32>
        %and3A_290 = arith.constant 255 : i32
        %and3A_291 = vector.broadcast %and3A_290 : i32 to vector<16xi32>
        %and3A_292 = arith.andi %shift_right_logical3A_289, %and3A_291 : vector<16xi32>
        %gt3A_293 = arith.constant 128 : i32
        %gt3A_294 = vector.broadcast %gt3A_293 : i32 to vector<16xi32>
        %gt3A_295 = arith.cmpi sgt, %and3A_292, %gt3A_294 : vector<16xi32>
        %jit3A_296 = arith.constant 1 : i32
        %jit3A_297 = arith.constant 0 : i32
        %broadcast_in_dim3A_298 = vector.broadcast %jit3A_296 : i32 to vector<16xi32>
        %broadcast_in_dim3A_299 = vector.broadcast %jit3A_297 : i32 to vector<16xi32>
        %select_n3A_300 = arith.select %gt3A_295, %broadcast_in_dim3A_298, %broadcast_in_dim3A_299 : vector<16xi1>, vector<16xi32>
        %swap3A_301 = arith.index_cast %add3A_276 : i32 to index
        %swap3A_302 = tpu.vector_load %arg7[%swap3A_301] {strides = array<i32>} : memref<32768xi32, #tpu.memory_space<vmem>>, vector<16xi32>,
        %swap3A_303 = vector.shape_cast %swap3A_302 : vector<16xi32> to vector<16xi32>
        %swap3A_304 = vector.shape_cast %select_n3A_300 : vector<16xi32> to vector<16xi32>
        tpu.vector_store %arg7[%swap3A_301], %swap3A_304 {strides = array<i32>} : memref<32768xi32, #tpu.memory_space<vmem>>, vector<16xi32>,
      }
      %scan3A_32 = arith.constant 16 : i32
    }
    %scan3A_13 = arith.constant 16 : i32
    "tpu.region"() ({
      %run_scoped3A = tpu.sem_alloc : memref<!tpu.dma_semaphore, #tpu.memory_space<semaphore_mem>>
      %dma_start3A = tpu.memref_slice %arg4[%mul3A_2] : memref<1048576xi32, #tpu.memory_space<hbm>> -> memref<32768xi32, #tpu.memory_space<hbm>>
      %dma_start3A_14 = tpu.memref_slice %arg4[%mul3A_2] : memref<1048576xi32, #tpu.memory_space<hbm>> -> memref<32768xi32, #tpu.memory_space<hbm>>
      tpu.enqueue_dma source(%arg7 : memref<32768xi32, #tpu.memory_space<vmem>>) target(%dma_start3A_14 : memref<32768xi32, #tpu.memory_space<hbm>>) target_semaphore(%run_scoped3A : memref<!tpu.dma_semaphore, #tpu.memory_space<semaphore_mem>>)
      %dma_wait3A = tpu.memref_slice %arg4[%mul3A_2] : memref<1048576xi32, #tpu.memory_space<hbm>> -> memref<32768xi32, #tpu.memory_space<hbm>>
      %dma_wait3A_15 = tpu.memref_slice %arg4[%mul3A_2] : memref<1048576xi32, #tpu.memory_space<hbm>> -> memref<32768xi32, #tpu.memory_space<hbm>>
      tpu.wait_dma2 semaphore(%run_scoped3A : memref<!tpu.dma_semaphore, #tpu.memory_space<semaphore_mem>>) src(%arg7 : memref<32768xi32, #tpu.memory_space<vmem>>) dst(%dma_wait3A_15 : memref<32768xi32, #tpu.memory_space<hbm>>)
      tpu.yield
    }) : () -> ()
    return
  }
}

module attributes {stable_mosaic.version = 14 : i64} {
  func.func @_idx_body(%arg0: i32, %arg1: memref<3x1024x128xf32, #tpu.memory_space<vmem>>, %arg2: memref<3x1024x128xf32, #tpu.memory_space<vmem>>, %arg3: memref<1024x128xi32, #tpu.memory_space<vmem>>) attributes {dimension_semantics = [#tpu.dimension_semantics<arbitrary>], iteration_bounds = array<i64: 8>, scalar_prefetch = 0 : i64, scratch_operands = 0 : i64, tpu.core_type = #tpu.core_type<tc>, window_params = [{transform_indices = @transform_0, window_bounds = array<i64: 3, 1024, 128>}, {transform_indices = @transform_1, window_bounds = array<i64: 3, 1024, 128>}, {transform_indices = @transform_2, window_bounds = array<i64: 1024, 128>}]} {
    %get3A = arith.constant 0 : index
    %get3A_0 = arith.constant 0 : index
    %get3A_1 = arith.constant 0 : index
    %get3A_2 = vector.load %arg1[%get3A, %get3A_0, %get3A_1] : memref<3x1024x128xf32, #tpu.memory_space<vmem>>, vector<3x1024x128xf32>
    %get3A_3 = arith.constant 0 : index
    %get3A_4 = arith.constant 0 : index
    %get3A_5 = arith.constant 0 : index
    %get3A_6 = vector.load %arg2[%get3A_3, %get3A_4, %get3A_5] : memref<3x1024x128xf32, #tpu.memory_space<vmem>>, vector<3x1024x128xf32>
    %abs3A = math.absf %get3A_6 : vector<3x1024x128xf32>
    %reduce_max3A = arith.constant dense<0xFF800000> : vector<1024x128xf32>
    %reduce_max3A_7 = vector.multi_reduction <maximumf>, %abs3A, %reduce_max3A [0] : vector<3x1024x128xf32> to vector<1024x128xf32>
    %slice3A = vector.extract_strided_slice %get3A_6 {offsets = [0, 0, 0], sizes = [1, 1024, 128], strides = [1, 1, 1]} : vector<3x1024x128xf32> to vector<1x1024x128xf32>
    %squeeze3A = vector.shape_cast %slice3A : vector<1x1024x128xf32> to vector<1024x128xf32>
    %div3A = arith.divf %squeeze3A, %reduce_max3A_7 : vector<1024x128xf32>
    %slice3A_8 = vector.extract_strided_slice %get3A_6 {offsets = [1, 0, 0], sizes = [1, 1024, 128], strides = [1, 1, 1]} : vector<3x1024x128xf32> to vector<1x1024x128xf32>
    %squeeze3A_9 = vector.shape_cast %slice3A_8 : vector<1x1024x128xf32> to vector<1024x128xf32>
    %div3A_10 = arith.divf %squeeze3A_9, %reduce_max3A_7 : vector<1024x128xf32>
    %slice3A_11 = vector.extract_strided_slice %get3A_6 {offsets = [2, 0, 0], sizes = [1, 1024, 128], strides = [1, 1, 1]} : vector<3x1024x128xf32> to vector<1x1024x128xf32>
    %squeeze3A_12 = vector.shape_cast %slice3A_11 : vector<1x1024x128xf32> to vector<1024x128xf32>
    %div3A_13 = arith.divf %squeeze3A_12, %reduce_max3A_7 : vector<1024x128xf32>
    %broadcast_in_dim3A = arith.constant 0 : i32
    %broadcast_in_dim3A_14 = vector.broadcast %broadcast_in_dim3A : i32 to vector<1024x128xi32>
    %ge3A = arith.constant 1.000000e+00 : f32
    %ge3A_15 = vector.broadcast %ge3A : f32 to vector<1024x128xf32>
    %ge3A_16 = arith.cmpf oge, %div3A, %ge3A_15 : vector<1024x128xf32>
    %neg3A = arith.constant 0.000000e+00 : f32
    %neg3A_17 = arith.constant 1.000000e+00 : f32
    %neg3A_18 = arith.subf %neg3A, %neg3A_17 : f32
    %le3A = vector.broadcast %neg3A_18 : f32 to vector<1024x128xf32>
    %le3A_19 = arith.cmpf ole, %div3A, %le3A : vector<1024x128xf32>
    %ge3A_20 = arith.constant 1.000000e+00 : f32
    %ge3A_21 = vector.broadcast %ge3A_20 : f32 to vector<1024x128xf32>
    %ge3A_22 = arith.cmpf oge, %div3A_10, %ge3A_21 : vector<1024x128xf32>
    %neg3A_23 = arith.constant 0.000000e+00 : f32
    %neg3A_24 = arith.constant 1.000000e+00 : f32
    %neg3A_25 = arith.subf %neg3A_23, %neg3A_24 : f32
    %le3A_26 = vector.broadcast %neg3A_25 : f32 to vector<1024x128xf32>
    %le3A_27 = arith.cmpf ole, %div3A_10, %le3A_26 : vector<1024x128xf32>
    %ge3A_28 = arith.constant 1.000000e+00 : f32
    %ge3A_29 = vector.broadcast %ge3A_28 : f32 to vector<1024x128xf32>
    %ge3A_30 = arith.cmpf oge, %div3A_13, %ge3A_29 : vector<1024x128xf32>
    %neg3A_31 = arith.constant 0.000000e+00 : f32
    %neg3A_32 = arith.constant 1.000000e+00 : f32
    %neg3A_33 = arith.subf %neg3A_31, %neg3A_32 : f32
    %le3A_34 = vector.broadcast %neg3A_33 : f32 to vector<1024x128xf32>
    %le3A_35 = arith.cmpf ole, %div3A_13, %le3A_34 : vector<1024x128xf32>
    %jit3A = arith.constant 0 : i32
    %broadcast_in_dim3A_36 = vector.broadcast %jit3A : i32 to vector<1024x128xi32>
    %select_n3A = arith.select %ge3A_16, %broadcast_in_dim3A_36, %broadcast_in_dim3A_14 : vector<1024x128xi1>, vector<1024x128xi32>
    %jit3A_37 = arith.constant 1 : i32
    %broadcast_in_dim3A_38 = vector.broadcast %jit3A_37 : i32 to vector<1024x128xi32>
    %select_n3A_39 = arith.select %le3A_19, %broadcast_in_dim3A_38, %select_n3A : vector<1024x128xi1>, vector<1024x128xi32>
    %jit3A_40 = arith.constant 2 : i32
    %broadcast_in_dim3A_41 = vector.broadcast %jit3A_40 : i32 to vector<1024x128xi32>
    %select_n3A_42 = arith.select %ge3A_22, %broadcast_in_dim3A_41, %select_n3A_39 : vector<1024x128xi1>, vector<1024x128xi32>
    %jit3A_43 = arith.constant 3 : i32
    %broadcast_in_dim3A_44 = vector.broadcast %jit3A_43 : i32 to vector<1024x128xi32>
    %select_n3A_45 = arith.select %le3A_27, %broadcast_in_dim3A_44, %select_n3A_42 : vector<1024x128xi1>, vector<1024x128xi32>
    %jit3A_46 = arith.constant 4 : i32
    %broadcast_in_dim3A_47 = vector.broadcast %jit3A_46 : i32 to vector<1024x128xi32>
    %select_n3A_48 = arith.select %ge3A_30, %broadcast_in_dim3A_47, %select_n3A_45 : vector<1024x128xi1>, vector<1024x128xi32>
    %jit3A_49 = arith.constant 5 : i32
    %broadcast_in_dim3A_50 = vector.broadcast %jit3A_49 : i32 to vector<1024x128xi32>
    %select_n3A_51 = arith.select %le3A_35, %broadcast_in_dim3A_50, %select_n3A_48 : vector<1024x128xi1>, vector<1024x128xi32>
    %div3A_52 = arith.constant 2.000000e+00 : f32
    %div3A_53 = vector.broadcast %div3A_52 : f32 to vector<3x1024x128xf32>
    %div3A_54 = arith.divf %get3A_2, %div3A_53 : vector<3x1024x128xf32>
    %add3A = arith.constant 5.000000e-01 : f32
    %add3A_55 = vector.broadcast %add3A : f32 to vector<3x1024x128xf32>
    %add3A_56 = arith.addf %div3A_54, %add3A_55 : vector<3x1024x128xf32>
    %mul3A = arith.constant 2.550000e+02 : f32
    %mul3A_57 = vector.broadcast %mul3A : f32 to vector<3x1024x128xf32>
    %mul3A_58 = arith.mulf %add3A_56, %mul3A_57 : vector<3x1024x128xf32>
    %jit3A_59 = arith.constant 0.000000e+00 : f32
    %jit3A_60 = arith.constant 2.550000e+02 : f32
    %max3A = vector.broadcast %jit3A_59 : f32 to vector<3x1024x128xf32>
    %max3A_61 = arith.maximumf %max3A, %mul3A_58 : vector<3x1024x128xf32>
    %min3A = vector.broadcast %jit3A_60 : f32 to vector<3x1024x128xf32>
    %min3A_62 = arith.minimumf %min3A, %max3A_61 : vector<3x1024x128xf32>
    %convert_element_type3A = arith.fptosi %min3A_62 : vector<3x1024x128xf32> to vector<3x1024x128xi32>
    %slice3A_63 = vector.extract_strided_slice %convert_element_type3A {offsets = [0, 0, 0], sizes = [1, 1024, 128], strides = [1, 1, 1]} : vector<3x1024x128xi32> to vector<1x1024x128xi32>
    %squeeze3A_64 = vector.shape_cast %slice3A_63 : vector<1x1024x128xi32> to vector<1024x128xi32>
    %slice3A_65 = vector.extract_strided_slice %convert_element_type3A {offsets = [1, 0, 0], sizes = [1, 1024, 128], strides = [1, 1, 1]} : vector<3x1024x128xi32> to vector<1x1024x128xi32>
    %squeeze3A_66 = vector.shape_cast %slice3A_65 : vector<1x1024x128xi32> to vector<1024x128xi32>
    %slice3A_67 = vector.extract_strided_slice %convert_element_type3A {offsets = [2, 0, 0], sizes = [1, 1024, 128], strides = [1, 1, 1]} : vector<3x1024x128xi32> to vector<1x1024x128xi32>
    %squeeze3A_68 = vector.shape_cast %slice3A_67 : vector<1x1024x128xi32> to vector<1024x128xi32>
    %mul3A_69 = arith.constant 6 : i32
    %mul3A_70 = vector.broadcast %mul3A_69 : i32 to vector<1024x128xi32>
    %mul3A_71 = arith.muli %squeeze3A_64, %mul3A_70 : vector<1024x128xi32>
    %add3A_72 = arith.addi %mul3A_71, %select_n3A_51 : vector<1024x128xi32>
    %shift_left3A = arith.constant 16 : i32
    %shift_left3A_73 = vector.broadcast %shift_left3A : i32 to vector<1024x128xi32>
    %shift_left3A_74 = arith.shli %add3A_72, %shift_left3A_73 : vector<1024x128xi32>
    %shift_right_arithmetic3A = arith.constant 5 : i32
    %shift_right_arithmetic3A_75 = vector.broadcast %shift_right_arithmetic3A : i32 to vector<1024x128xi32>
    %shift_right_arithmetic3A_76 = arith.shrsi %squeeze3A_66, %shift_right_arithmetic3A_75 : vector<1024x128xi32>
    %shift_left3A_77 = arith.constant 13 : i32
    %shift_left3A_78 = vector.broadcast %shift_left3A_77 : i32 to vector<1024x128xi32>
    %shift_left3A_79 = arith.shli %shift_right_arithmetic3A_76, %shift_left3A_78 : vector<1024x128xi32>
    %or3A = arith.ori %shift_left3A_74, %shift_left3A_79 : vector<1024x128xi32>
    %shift_right_arithmetic3A_80 = arith.constant 7 : i32
    %shift_right_arithmetic3A_81 = vector.broadcast %shift_right_arithmetic3A_80 : i32 to vector<1024x128xi32>
    %shift_right_arithmetic3A_82 = arith.shrsi %squeeze3A_68, %shift_right_arithmetic3A_81 : vector<1024x128xi32>
    %shift_left3A_83 = arith.constant 12 : i32
    %shift_left3A_84 = vector.broadcast %shift_left3A_83 : i32 to vector<1024x128xi32>
    %shift_left3A_85 = arith.shli %shift_right_arithmetic3A_82, %shift_left3A_84 : vector<1024x128xi32>
    %or3A_86 = arith.ori %or3A, %shift_left3A_85 : vector<1024x128xi32>
    %shift_right_arithmetic3A_87 = arith.constant 2 : i32
    %shift_right_arithmetic3A_88 = vector.broadcast %shift_right_arithmetic3A_87 : i32 to vector<1024x128xi32>
    %shift_right_arithmetic3A_89 = arith.shrsi %squeeze3A_66, %shift_right_arithmetic3A_88 : vector<1024x128xi32>
    %and3A = arith.constant 7 : i32
    %and3A_90 = vector.broadcast %and3A : i32 to vector<1024x128xi32>
    %and3A_91 = arith.andi %shift_right_arithmetic3A_89, %and3A_90 : vector<1024x128xi32>
    %shift_left3A_92 = arith.constant 9 : i32
    %shift_left3A_93 = vector.broadcast %shift_left3A_92 : i32 to vector<1024x128xi32>
    %shift_left3A_94 = arith.shli %and3A_91, %shift_left3A_93 : vector<1024x128xi32>
    %or3A_95 = arith.ori %or3A_86, %shift_left3A_94 : vector<1024x128xi32>
    %and3A_96 = arith.constant 127 : i32
    %and3A_97 = vector.broadcast %and3A_96 : i32 to vector<1024x128xi32>
    %and3A_98 = arith.andi %squeeze3A_68, %and3A_97 : vector<1024x128xi32>
    %shift_left3A_99 = arith.constant 2 : i32
    %shift_left3A_100 = vector.broadcast %shift_left3A_99 : i32 to vector<1024x128xi32>
    %shift_left3A_101 = arith.shli %and3A_98, %shift_left3A_100 : vector<1024x128xi32>
    %or3A_102 = arith.ori %or3A_95, %shift_left3A_101 : vector<1024x128xi32>
    %and3A_103 = arith.constant 3 : i32
    %and3A_104 = vector.broadcast %and3A_103 : i32 to vector<1024x128xi32>
    %and3A_105 = arith.andi %squeeze3A_66, %and3A_104 : vector<1024x128xi32>
    %or3A_106 = arith.ori %or3A_102, %and3A_105 : vector<1024x128xi32>
    %swap3A = arith.constant 0 : index
    %swap3A_107 = arith.constant 0 : index
    %swap3A_108 = vector.load %arg3[%swap3A, %swap3A_107] : memref<1024x128xi32, #tpu.memory_space<vmem>>, vector<1024x128xi32>
    tpu.vector_store %arg3[%swap3A, %swap3A_107], %or3A_106 {strides = array<i32>} : memref<1024x128xi32, #tpu.memory_space<vmem>>, vector<1024x128xi32>,
    return
  }
  func.func @transform_0(%arg0: i32) -> (i32, i32, i32) {
    %c0_i32 = arith.constant 0 : i32
    %c0_i32_0 = arith.constant 0 : i32
    %c0_i32_1 = arith.constant 0 : i32
    return %c0_i32, %arg0, %c0_i32_0 : i32, i32, i32
  }
  func.func @transform_1(%arg0: i32) -> (i32, i32, i32) {
    %c0_i32 = arith.constant 0 : i32
    %c0_i32_0 = arith.constant 0 : i32
    %c0_i32_1 = arith.constant 0 : i32
    return %c0_i32, %arg0, %c0_i32_0 : i32, i32, i32
  }
  func.func @transform_2(%arg0: i32) -> (i32, i32) {
    %c0_i32 = arith.constant 0 : i32
    %c0_i32_0 = arith.constant 0 : i32
    return %arg0, %c0_i32 : i32, i32
  }
}

</mosaic_0001>

<sc_bundles>
// kernel: kernel.4.cloned.1.call-start
scs
__scs_entry_jumppad:
0x0: {  	(pc) =	sbr.rel $0x88, $3  }
0x1: {  	(tag) =	ssettag $0x0;
	lr =	simm.s32 $0x1  }
0x2: {  	[smem:$0x3F9E] =	sst lr;
	_ =	strace $0xD0000000  }
0x3: {  	_ = 	snop  }
0x4: {  	_ = 	snop  }
0x5: {  	_ = 	snop  }
0x6: {  	_ = 	snop  }
0x7: {  	_ = 	snop  }
__scs_overlays_trampoline_lowered:
0x8: {  	[smem:$0x3FAD] =	sst s0  }
0x9: {  	[smem:$0x3FAE] =	sst s1  }
0xa: {  	[smem:$0x3FAF] =	sst s2  }
0xb: {  	[smem:$0x3FB0] =	sst s3  }
0xc: {  	[smem:$0x3FB1] =	sst s4  }
0xd: {  	[smem:$0x3FB2] =	sst s5  }
0xe: {  	[smem:$0x3FB3] =	sst s6  }
0xf: {  	[smem:$0x3FB4] =	sst s7  }
0x10: {  	[smem:$0x3FB5] =	sst s8  }
0x11: {  	[smem:$0x3FB6] =	sst s9;
	s0 =	simm.s32 @!p0 $0x0  }
0x12: {  	s1 =	sld [smem:$0x3F9C];
	s0 =	simm.s32 @p0 $0x1  }
0x13: {  	[smem:$0x3FB7] =	sst s0;
	s0 =	simm.s32 @!p1 $0x0  }
0x14: {  	s2 =	sld [smem:$0x3F9B];
	s0 =	simm.s32 @p1 $0x1  }
0x15: {  	[smem:$0x3FB8] =	sst s0;
	s0 =	simm.s32 @!p2 $0x0  }
0x16: {  	s3 =	sld [smem:$0x3FDB];
	s0 =	simm.s32 @p2 $0x1  }
0x17: {  	s4 =	simm.s32 $0x1BF5;
	[smem:$0x3FBA] =	sst s0  }
0x18: {  	s0 =	sld [smem:$0x3F9D];
	_ =	swait.ge [sflag:s4], $0x0  }
0x19: {  	s7 =	sld [smem:$0x3F9E]  }
0x1a: {  	s8 =	sadd.s32 $0xFFFFE003, lr  }
0x1b: {  	s9 =	sadd.s32 $0xFFFFFEF7, lr;
	s5 =	simm.s32 $0xFFFFFFFF;
	p2 =	slt.u32 s8, $0xFFFFF086  }
0x1c: {  	p1 =	slt.u32 s9, $0xF7A;
	s5 =	simm.s32 @!p2 $0x0  }
0x1d: {  	s5 =	simm.s32 @p1 $0x1;
	p0 =	seq.s32 s7, s2  }
0x1e: {  	s7 =	smul.u32 @!p0 $0xF7A, s2;
	p2 =	seq.s32 @!p0 s5, $0x0  }
0x1f: {  	s9 =	smul.u32 $0xF7A, s1;
	s8 =	simm.s32 @!p0 $0x1BF5;
	p2 =	por !p2, p0  }
0x20: {  	[sflag:s8] =	ssyncset.s32 @!p0 $0xFFFFF086;
	s6 =	sadd.s32 @!p0 s3, s7;
	s7 =	simm.s32 @!p0 $0x108  }
0x21: {  	s3 =	sadd.s32 s3, s9;
	s6 =	sadd.s32 @!p0 $0x88, s6;
	s7 =	simm.s32 @p2 $0x1082  }
0x22: {  	[simem:s7], [sflag:s8] =	dma.local @!p0 [hbm:s6], $0xF7A  }
0x23: {  	s9 =	sor.u32 $0xD0000000, s2;
	s6 =	simm.s32 $0x108;
	_ =	swait.ge @!p0 [sflag:s8], $0x0  }
0x24: {  	s3 =	sadd.s32 $0x88, s3;
	s6 =	simm.s32 @!p1 $0x1082;
	[sflag:s4] =	ssyncset.s32 $0xFFFFF086  }
0x25: {  	[simem:s6], [sflag:s4] =	dma.local [hbm:s3], $0xF7A  }
0x26: {  	[smem:$0x3F9E] =	sst s1;
	(tag) =	ssettag s2;
	_ =	strace s9  }
0x27: {  	s1 =	sld [smem:$0x3FAE]  }
0x28: {  	s2 =	sld [smem:$0x3FAF]  }
0x29: {  	s4 =	sld [smem:$0x3FB1]  }
0x2a: {  	p0 =	seq.s32 s5, $0x0;
	s5 =	sld [smem:$0x3FB2]  }
0x2b: {  	s6 =	sld [smem:$0x3FB3]  }
0x2c: {  	s7 =	sld [smem:$0x3FB4]  }
0x2d: {  	s3 =	simm.s32 $0x108;
	s8 =	sld [smem:$0x3FB5]  }
0x2e: {  	s3 =	simm.s32 @!p0 $0x1082;
	s9 =	sld [smem:$0x3FB6]  }
0x2f: {  	lr =	sadd.s32 s0, s3;
	s0 =	sld [smem:$0x3FAD]  }
0x30: {  	s3 =	sld [smem:$0x3FB0]  }
0x31: {  	[smem:$0x3FB9] =	sst s10  }
0x32: {  	s10 =	sld [smem:$0x3FB7];
	_ =	sdelay $0x3  }
0x33: {  	p0 =	seq.s32 s10, $0x1;
	s10 =	sld [smem:$0x3FB9];
	_ =	sdelay $0x3  }
0x34: {  	[smem:$0x3FB9] =	sst s10  }
0x35: {  	s10 =	sld [smem:$0x3FB8];
	_ =	sdelay $0x3  }
0x36: {  	p1 =	seq.s32 s10, $0x1;
	s10 =	sld [smem:$0x3FB9];
	_ =	sdelay $0x3  }
0x37: {  	[smem:$0x3FB9] =	sst s10  }
0x38: {  	s10 =	sld [smem:$0x3FBA]  }
0x39: {  	_ = 	snop;
	(pc) =	sbr.ind lr, $3  }
0x3a: {  	_ = 	snop  }
0x3b: {  	_ = 	snop  }
0x3c: {  	p2 =	seq.s32 s10, $0x1;
	s10 =	sld [smem:$0x3FB9]  }
0x3d: {  	_ =	shalt  }
0x3e: {  	_ =	shalt  }
0x3f: {  	_ =	shalt  }
0x40: {  	_ =	shalt  }
0x41: {  	_ =	shalt  }
0x42: {  	_ =	shalt  }
0x43: {  	_ =	shalt  }
0x44: {  	_ =	shalt  }
0x45: {  	_ =	shalt  }
0x46: {  	_ =	shalt  }
0x47: {  	_ =	shalt  }
0x48: {  	_ =	shalt  }
0x49: {  	_ =	shalt  }
0x4a: {  	_ =	shalt  }
0x4b: {  	_ =	shalt  }
0x4c: {  	_ =	shalt  }
0x4d: {  	_ =	shalt  }
0x4e: {  	_ =	shalt  }
0x4f: {  	_ =	shalt  }
0x50: {  	_ =	shalt  }
0x51: {  	_ =	shalt  }
0x52: {  	_ =	shalt  }
0x53: {  	_ =	shalt  }
0x54: {  	_ =	shalt  }
0x55: {  	_ =	shalt  }
0x56: {  	_ =	shalt  }
0x57: {  	_ =	shalt  }
0x58: {  	_ =	shalt  }
0x59: {  	_ =	shalt  }
0x5a: {  	_ =	shalt  }
0x5b: {  	_ =	shalt  }
0x5c: {  	_ =	shalt  }
0x5d: {  	_ =	shalt  }
0x5e: {  	_ =	shalt  }
0x5f: {  	_ =	shalt  }
0x60: {  	_ =	shalt  }
0x61: {  	_ =	shalt  }
0x62: {  	_ =	shalt  }
0x63: {  	_ =	shalt  }
0x64: {  	_ =	shalt  }
0x65: {  	_ =	shalt  }
0x66: {  	_ =	shalt  }
0x67: {  	_ =	shalt  }
0x68: {  	_ =	shalt  }
0x69: {  	_ =	shalt  }
0x6a: {  	_ =	shalt  }
0x6b: {  	_ =	shalt  }
0x6c: {  	_ =	shalt  }
0x6d: {  	_ =	shalt  }
0x6e: {  	_ =	shalt  }
0x6f: {  	_ =	shalt  }
0x70: {  	_ =	shalt  }
0x71: {  	_ =	shalt  }
0x72: {  	_ =	shalt  }
0x73: {  	_ =	shalt  }
0x74: {  	_ =	shalt  }
0x75: {  	_ =	shalt  }
0x76: {  	_ =	shalt  }
0x77: {  	_ =	shalt  }
0x78: {  	_ =	shalt  }
0x79: {  	_ =	shalt  }
0x7a: {  	_ =	shalt  }
0x7b: {  	_ =	shalt  }
0x7c: {  	_ =	shalt  }
0x7d: {  	_ =	shalt  }
0x7e: {  	_ =	shalt  }
0x7f: {  	_ =	shalt  }
0x80: {  	_ =	shalt  }
0x81: {  	_ =	shalt  }
0x82: {  	_ =	shalt  }
0x83: {  	_ =	shalt  }
0x84: {  	_ =	shalt  }
0x85: {  	_ =	shalt  }
0x86: {  	_ =	shalt  }
0x87: {  	_ =	shalt  }
.Lfunc_end0:
.L_simem_size_0:
called_computation_lowered:
.L_overlay_start_0:
0x88: {  	s2 =	sld [smem:$0x3FD9]  }
0x89: {  	s3 =	sld [smem:$0x3FFE];
	_ =	sdelay $0x1  }
0x8a: {  	s1 =	srdreg.scid  }
0x8b: {  	s0 =	sand.u32 $0x1, s1  }
0x8c: {  	s16 =	sshll.u32 s0, $0xA;
	s2 =	sadd.s32 s3, s2  }
0x8d: {  	s2 =	sadd.s32 s2, s16  }
0x8e: {  	[smem:$0x3FC5] =	sst s2  }
0x8f: {  	_ = 	snop  }
0x90: {  	(tm) =	ssettm $0x1  }
0x91: {  	s17 =	sld [smem:$0x3FFB];
	_ =	sdelay $0x3  }
0x92: {  	_ =	strace s17  }
0x93: {  	s2 =	sld [smem:$0x3FFC];
	_ =	sdelay $0x3  }
0x94: {  	_ =	strace s2  }
0x95: {  	s2 =	sld [smem:$0x3FFD];
	_ =	sdelay $0x3  }
0x96: {  	_ =	strace s2  }
0x97: {  	_ =	strace $0x8FFFFFFF  }
0x98: {  	s18 =	sld [smem:$0x3FDB];
	_ =	sdelay $0x1  }
0x99: {  	s19 =	simm.s32 $_scs_section_size  }
0x9a: {  	s4 =	simm.s32 $_size__tile_overlayer_lowered;
	s5 =	simm.s32 $_tile_overlayer_lowered  }
0x9b: {  	s22 =	simm.s32 $0x1BFF;
	s21 =	sshll.u32 s5, $0x1;
	s2 =	sadd.s32 s19, s18  }
0x9c: {  	s6 =	simm.s32 $0x0;
	s20 =	sshll.u32 s4, $0x1;
	s4 =	sadd.s32 s21, s2  }
0x9d: {  	[timem:s6], [sflag:s22] =	dma.local [hbm:s4], s20  }
0x9e: {  	_ =	swait.ge [sflag:s22], s20  }
0x9f: {  	s3 =	ssub.s32 $0x0, s20;
	[sflag:s22] =	ssyncset.done $0x0  }
0xa0: {  	[sflag:s22] =	ssyncadd.s32 s3;
	_ =	sdelay $0x1  }
0xa1: {  	s23 =	simm.s32 $0x1B8B  }
0xa2: {  	_ =	swait.ge [sflag:s23], $0x1  }
0xa3: {  	[sflag:s23] =	ssyncset.done $0x0  }
0xa4: {  	s25 =	simm.s32 $0x1B8E;
	s24 =	sld [smem:$0x3FFE];
	[sflag:s23] =	ssyncadd.s32 $0xFFFFFFFF  }
0xa5: {  	s26 =	simm.s32 $execute0_lowered;
	[smem:$0x3FD2] =	sst s25  }
0xa6: {  	s4 =	sshll.u32 s26, $0x1;
	_ =	strace $0x80000046;
	[dreg:$0x1] =	wrdreg $0xFFFFFFFF  }
0xa7: {  	s28 =	simm.s32 $_size_execute0_lowered;
	s2 =	sadd.s32 s2, s4;
	[dreg:$0x0] =	wrdreg $0x0  }
0xa8: {  	s4 =	sshll.u32 s28, $0x1;
	[dreg:$0x2] =	wrdreg s2  }
0xa9: {  	[dreg:$0x3] =	wrdreg s4  }
0xaa: {  	[dreg:$0x4] =	wrdreg $0xC0  }
0xab: {  	_ =	task [dreg:s6], $0x5FFFF  }
0xac: {  	[dreg:$0x1] =	wrdreg $0xFFFFFFFF  }
0xad: {  	[dreg:$0x0] =	wrdreg $0x60  }
0xae: {  	[dreg:$0x2] =	wrdreg s24  }
0xaf: {  	[dreg:$0x3] =	wrdreg $0x9  }
0xb0: {  	_ =	task.clear_ibuf [dreg:s6], $0x4FFFF;
	_ =	strace $0x90000046  }
0xb1: {  	s29 =	simm.s32 $0x9;
	_ =	strace $0x80000048  }
0xb2: {  	_ =	swait.ge [sflag:s29], $0x1  }
0xb3: {  	[sflag:s29] =	ssyncadd.s32 $0xFFFFFFFF  }
0xb4: {  	_ =	strace $0x90000048  }
0xb5: {  	_ =	sfence  }
0xb6: {  	s30 =	sld [smem:$0x0];
	_ =	sdelay $0x2  }
0xb7: {  	s31 =	sshll.u32 s1, $0xD;
	s1 =	sshrl.u32 s1, $0x2  }
0xb8: {  	s3 =	sand.u32 $0x4000, s31;
	s1 =	sadd.s32 s1, s30  }
0xb9: {  	s0 =	sor.u32 s3, s0;
	s1 =	sshll.u32 s1, $0x11  }
0xba: {  	s0 =	sor.u32 s1, s0  }
0xbb: {  	s0 =	sadd.s32 $0x8F2B, s0  }
0xbc: {  	[sflag:s0] =	ssyncadd.remote.s32 $0x1  }
0xbd: {  	_ =	sfence.sel $0xFFFF  }
0xbe: {  	[dreg:$0x0] =	wrdreg $0xFFFFFFFF;
	(pc) =	sbr.abs _section_cstart, $3  }
0xbf: {  	[dreg:$0x1] =	wrdreg $0xFFFFFFFF  }
0xc0: {  	_ =	task.clear_ibuf [dreg:s6], $0x2FFFF;
	_ =	strace $0x9FFFFFFF  }
0xc1: {  	(tm) =	ssettm $0x7FFFFFFF  }
tec
execute0_lowered:
.L_overlay_start_1:
0x0: {  	(tag) =	ssettag $0x1  }
0x1: {  	s4 =	rddreg [dreg:$0x0]  }
0x2: {  	s0 =	rddreg [dreg:$0x1];
	s3 =	srdreg.scid  }
0x3: {  	s2 =	simm.s32 $0x0;
	s1 =	stileid.u32;
	s7 =	simm.s32 $0x2  }
0x4: {  	s8 =	simm.s32 $0x80;
	s9 =	simm.s32 $0x1;
	s10 =	simm.s32 $0x10000  }
0x5: {  	s11 =	simm.s32 $0x0;
	s3 =	sand.u32 $0x1, s3;
	[smem:$0x7FF] =	sst s2  }
0x6: {  	s5 =	sshll.u32 s1, $0xD;
	s6 =	sshll.u32 s3, $0xC;
	s30 =	ssub.s32 $0x2, s3  }
0x7: {  	_ =	strace $0x80000047;
	s5 =	sor.u32 s6, s5;
	s31 =	sshrl.u32 s30, $0x1  }
0x8: {  	s3 =	sadd.s32 $0x300600, s4;
	s5 =	sadd.s32 s5, s4;
	s6 =	ssub.s32 s30, s31  }
0x9: {  	v0 =	vimm.s32 $0x0;
	s4 =	sadd.s32 $0x600, s5;
	s5 =	sadd.s32 $0x20600, s5;
	s6 =	smax.u32 s6, $0x1  }
.LBB2_1:
0xa: {  	[tilespmem:s2], [sflag:$0x2] =	stream.linear.gather [hbm4b:s4+s2], $0x8000, $0x38;
	[tilespmem:$0x18000] =	vst v63  }
0xb: {  	_ =	swait.ge [sflag:s7], $0x8000  }
0xc: {  	[sflag:s7] =	ssyncset.done $0x0  }
0xd: {  	s13 =	simm.s32 $0x0;
	[sflag:s7] =	ssyncadd.s32 $0xFFFF8000  }
0xe: {  	v2 =	vld [tilespmem:s13+$0x70]  }
0xf: {  	v5 =	vld [tilespmem:s13+$0x0]  }
0x10: {  	v6 =	vld [tilespmem:s13+$0x10]  }
0x11: {  	v4 =	vld [tilespmem:s13+$0x20]  }
0x12: {  	v3 =	vld [tilespmem:s13+$0x30]  }
0x13: {  	v1 =	vld [tilespmem:s13+$0x40];
	v7 =	vshrl.u32 v2, $0x2  }
0x14: {  	v2 =	vld [tilespmem:s13+$0x50];
	v5 =	vshrl.u32 v5, $0x2;
	[tilespmem:s13+$0x8070] =	vst v7  }
0x15: {  	s12 =	simm.s32 $0x80;
	s14 =	simm.s32 $0x400;
	v6 =	vshrl.u32 v6, $0x2;
	[tilespmem:s13+$0x8000] =	vst v5;
	v5 =	vld [tilespmem:s13+$0x60]  }
.LBB2_2:
0x16: {  	p0 =	sne.s32 s14, $0x1FE00;
	v7 =	vld [tilespmem:s12+$0x70];
	[tilespmem:s13+$0x8010] =	vst v6;
	v4 =	vshrl.u32 v4, $0x2  }
0x17: {  	v6 =	vld [tilespmem:s12+$0x0];
	[tilespmem:s13+$0x8020] =	vst v4;
	v3 =	vshrl.u32 v3, $0x2  }
0x18: {  	v8 =	vld [tilespmem:s12+$0x10];
	[tilespmem:s13+$0x8030] =	vst v3;
	v1 =	vshrl.u32 v1, $0x2  }
.Ltmp0:
0x19: {  	v4 =	vld [tilespmem:s12+$0x20];
	[tilespmem:s13+$0x8040] =	vst v1;
	v1 =	vshrl.u32 v2, $0x2;
	(pc) =	sbr.rel @p0 .LBB2_2-.Ltmp0, $4  }
0x1a: {  	v3 =	vld [tilespmem:s12+$0x30];
	[tilespmem:s13+$0x8050] =	vst v1;
	v2 =	vshrl.u32 v5, $0x2  }
0x1b: {  	v1 =	vld [tilespmem:s12+$0x40];
	v5 =	vshrl.u32 v7, $0x2;
	[tilespmem:s13+$0x8060] =	vst v2;
	s13 =	smov.u32 s12  }
0x1c: {  	v6 =	vshrl.u32 v6, $0x2;
	v2 =	vld [tilespmem:s13+$0x50];
	[tilespmem:s13+$0x8070] =	vst v5  }
0x1d: {  	s12 =	sshra.s32 s14, $0x2;
	s14 =	sadd.s32 $0x200, s14;
	[tilespmem:s13+$0x8000] =	vst v6;
	v6 =	vshrl.u32 v8, $0x2;
	v5 =	vld [tilespmem:s13+$0x60]  }
0x1e: {  	v7 =	vld [tilespmem:s12+$0x70];
	[tilespmem:s13+$0x8010] =	vst v6;
	v4 =	vshrl.u32 v4, $0x2  }
0x1f: {  	v6 =	vld [tilespmem:s12+$0x0];
	[tilespmem:s13+$0x8020] =	vst v4;
	v3 =	vshrl.u32 v3, $0x2  }
0x20: {  	v4 =	vld [tilespmem:s12+$0x10];
	[tilespmem:s13+$0x8030] =	vst v3;
	v1 =	vshrl.u32 v1, $0x2  }
0x21: {  	v3 =	vld [tilespmem:s12+$0x20];
	[tilespmem:s13+$0x8040] =	vst v1;
	v1 =	vshrl.u32 v2, $0x2  }
0x22: {  	v2 =	vld [tilespmem:s12+$0x30];
	[tilespmem:s13+$0x8050] =	vst v1;
	v1 =	vshrl.u32 v5, $0x2  }
0x23: {  	v61 =	vld [tilespmem:s12+$0x40];
	[tilespmem:s13+$0x8060] =	vst v1;
	v1 =	vshrl.u32 v7, $0x2  }
0x24: {  	v62 =	vld [tilespmem:s12+$0x50];
	v6 =	vshrl.u32 v6, $0x2;
	[tilespmem:s12+$0x8070] =	vst v1  }
0x25: {  	v63 =	vld [tilespmem:s12+$0x60];
	[tilespmem:s12+$0x8000] =	vst v6;
	v1 =	vshrl.u32 v4, $0x2  }
0x26: {  	[tilespmem:s12+$0x8010] =	vst v1;
	v1 =	vshrl.u32 v3, $0x2  }
0x27: {  	[tilespmem:s12+$0x8020] =	vst v1;
	v1 =	vshrl.u32 v2, $0x2  }
0x28: {  	[tilespmem:s12+$0x8030] =	vst v1;
	v1 =	vshrl.u32 v61, $0x2  }
0x29: {  	[tilespmem:s12+$0x8040] =	vst v1;
	v1 =	vshrl.u32 v62, $0x2  }
0x2a: {  	[tilespmem:s12+$0x8050] =	vst v1;
	v1 =	vshrl.u32 v63, $0x2  }
0x2b: {  	s14 =	simm.s32 $0x10070;
	s13 =	simm.s32 $0x40;
	[tilespmem:s12+$0x8060] =	vst v1;
	s12 =	simm.s32 $0x0  }
.LBB2_4:
0x2c: {  	s15 =	sshll.u32 s12, $0xB  }
0x2d: {  	s16 =	sadd.s32 $0x10000, s15;
	s17 =	sadd.s32 $0x8000, s15  }
0x2e: {  	[tilespmem:s16], [sflag:$0x1] =	stream.indirect.gather [hbm4b:s3+s8], $0x1, s17, s8, $0xb8;
	[tilespmem:$0x18000] =	vst v63  }
0x2f: {  	s30 =	sadd.s32 $0x10080, s15;
	s31 =	sadd.s32 $0x8080, s15  }
0x30: {  	[tilespmem:s30], [sflag:$0x1] =	stream.indirect.gather [hbm4b:s3+s8], $0x1, s31, s8, $0xb8;
	[tilespmem:$0x18000] =	vst v63  }
0x31: {  	s18 =	sadd.s32 $0x8100, s15;
	s17 =	sadd.s32 $0x10100, s15  }
0x32: {  	[tilespmem:s17], [sflag:$0x1] =	stream.indirect.gather [hbm4b:s3+s8], $0x1, s18, s8, $0xb8;
	[tilespmem:$0x18000] =	vst v63  }
0x33: {  	s19 =	sadd.s32 $0x10180, s15;
	s20 =	sadd.s32 $0x8180, s15  }
0x34: {  	[tilespmem:s19], [sflag:$0x1] =	stream.indirect.gather [hbm4b:s3+s8], $0x1, s20, s8, $0xb8;
	[tilespmem:$0x18000] =	vst v63  }
0x35: {  	s21 =	sadd.s32 $0x10200, s15;
	s22 =	sadd.s32 $0x8200, s15  }
0x36: {  	[tilespmem:s21], [sflag:$0x1] =	stream.indirect.gather [hbm4b:s3+s8], $0x1, s22, s8, $0xb8;
	[tilespmem:$0x18000] =	vst v63  }
0x37: {  	s23 =	sadd.s32 $0x10280, s15;
	s24 =	sadd.s32 $0x8280, s15  }
0x38: {  	[tilespmem:s23], [sflag:$0x1] =	stream.indirect.gather [hbm4b:s3+s8], $0x1, s24, s8, $0xb8;
	[tilespmem:$0x18000] =	vst v63  }
0x39: {  	s25 =	sadd.s32 $0x10300, s15;
	s26 =	sadd.s32 $0x8300, s15  }
0x3a: {  	[tilespmem:s25], [sflag:$0x1] =	stream.indirect.gather [hbm4b:s3+s8], $0x1, s26, s8, $0xb8;
	[tilespmem:$0x18000] =	vst v63  }
0x3b: {  	s28 =	sadd.s32 $0x10380, s15;
	s29 =	sadd.s32 $0x8380, s15  }
0x3c: {  	[tilespmem:s28], [sflag:$0x1] =	stream.indirect.gather [hbm4b:s3+s8], $0x1, s29, s8, $0xb8;
	[tilespmem:$0x18000] =	vst v63  }
0x3d: {  	s30 =	sadd.s32 $0x10400, s15;
	s31 =	sadd.s32 $0x8400, s15  }
0x3e: {  	[tilespmem:s30], [sflag:$0x1] =	stream.indirect.gather [hbm4b:s3+s8], $0x1, s31, s8, $0xb8;
	[tilespmem:$0x18000] =	vst v63  }
0x3f: {  	s18 =	sadd.s32 $0x10480, s15;
	s19 =	sadd.s32 $0x8480, s15  }
0x40: {  	[tilespmem:s18], [sflag:$0x1] =	stream.indirect.gather [hbm4b:s3+s8], $0x1, s19, s8, $0xb8;
	[tilespmem:$0x18000] =	vst v63  }
0x41: {  	s20 =	sadd.s32 $0x10500, s15;
	s21 =	sadd.s32 $0x8500, s15  }
0x42: {  	[tilespmem:s20], [sflag:$0x1] =	stream.indirect.gather [hbm4b:s3+s8], $0x1, s21, s8, $0xb8;
	[tilespmem:$0x18000] =	vst v63  }
0x43: {  	s22 =	sadd.s32 $0x10580, s15;
	s23 =	sadd.s32 $0x8580, s15  }
0x44: {  	[tilespmem:s22], [sflag:$0x1] =	stream.indirect.gather [hbm4b:s3+s8], $0x1, s23, s8, $0xb8;
	[tilespmem:$0x18000] =	vst v63  }
0x45: {  	s24 =	sadd.s32 $0x10600, s15;
	s25 =	sadd.s32 $0x8600, s15  }
0x46: {  	[tilespmem:s24], [sflag:$0x1] =	stream.indirect.gather [hbm4b:s3+s8], $0x1, s25, s8, $0xb8;
	[tilespmem:$0x18000] =	vst v63  }
0x47: {  	s26 =	sadd.s32 $0x10680, s15;
	s28 =	sadd.s32 $0x8680, s15  }
0x48: {  	[tilespmem:s26], [sflag:$0x1] =	stream.indirect.gather [hbm4b:s3+s8], $0x1, s28, s8, $0xb8;
	[tilespmem:$0x18000] =	vst v63  }
0x49: {  	s29 =	sadd.s32 $0x10700, s15;
	s30 =	sadd.s32 $0x8700, s15  }
0x4a: {  	[tilespmem:s29], [sflag:$0x1] =	stream.indirect.gather [hbm4b:s3+s8], $0x1, s30, s8, $0xb8;
	[tilespmem:$0x18000] =	vst v63  }
0x4b: {  	s31 =	sadd.s32 $0x10780, s15;
	s15 =	sadd.s32 $0x8780, s15  }
0x4c: {  	[tilespmem:s31], [sflag:$0x1] =	stream.indirect.gather [hbm4b:s3+s8], $0x1, s15, s8, $0xb8;
	[tilespmem:$0x18000] =	vst v63  }
0x4d: {  	_ =	swait.ge [sflag:s9], $0x80  }
0x4e: {  	[sflag:s9] =	ssyncset.done $0x0  }
0x4f: {  	[sflag:s9] =	ssyncadd.s32 $0xFFFFFF80  }
0x50: {  	_ =	swait.ge [sflag:s9], $0x80  }
0x51: {  	[sflag:s9] =	ssyncset.done $0x0  }
0x52: {  	[sflag:s9] =	ssyncadd.s32 $0xFFFFFF80  }
0x53: {  	_ =	swait.ge [sflag:s9], $0x80  }
0x54: {  	[sflag:s9] =	ssyncset.done $0x0  }
0x55: {  	[sflag:s9] =	ssyncadd.s32 $0xFFFFFF80  }
0x56: {  	_ =	swait.ge [sflag:s9], $0x80  }
0x57: {  	[sflag:s9] =	ssyncset.done $0x0  }
0x58: {  	[sflag:s9] =	ssyncadd.s32 $0xFFFFFF80  }
0x59: {  	_ =	swait.ge [sflag:s9], $0x80  }
0x5a: {  	[sflag:s9] =	ssyncset.done $0x0  }
0x5b: {  	[sflag:s9] =	ssyncadd.s32 $0xFFFFFF80  }
0x5c: {  	_ =	swait.ge [sflag:s9], $0x80  }
0x5d: {  	[sflag:s9] =	ssyncset.done $0x0  }
0x5e: {  	[sflag:s9] =	ssyncadd.s32 $0xFFFFFF80  }
0x5f: {  	_ =	swait.ge [sflag:s9], $0x80  }
0x60: {  	[sflag:s9] =	ssyncset.done $0x0  }
0x61: {  	[sflag:s9] =	ssyncadd.s32 $0xFFFFFF80  }
0x62: {  	_ =	swait.ge [sflag:s9], $0x80  }
0x63: {  	[sflag:s9] =	ssyncset.done $0x0  }
0x64: {  	[sflag:s9] =	ssyncadd.s32 $0xFFFFFF80  }
0x65: {  	_ =	swait.ge [sflag:s9], $0x80  }
0x66: {  	[sflag:s9] =	ssyncset.done $0x0  }
0x67: {  	[sflag:s9] =	ssyncadd.s32 $0xFFFFFF80  }
0x68: {  	_ =	swait.ge [sflag:s9], $0x80  }
0x69: {  	[sflag:s9] =	ssyncset.done $0x0  }
0x6a: {  	[sflag:s9] =	ssyncadd.s32 $0xFFFFFF80  }
0x6b: {  	_ =	swait.ge [sflag:s9], $0x80  }
0x6c: {  	[sflag:s9] =	ssyncset.done $0x0  }
0x6d: {  	[sflag:s9] =	ssyncadd.s32 $0xFFFFFF80  }
0x6e: {  	_ =	swait.ge [sflag:s9], $0x80  }
0x6f: {  	[sflag:s9] =	ssyncset.done $0x0  }
0x70: {  	[sflag:s9] =	ssyncadd.s32 $0xFFFFFF80  }
0x71: {  	_ =	swait.ge [sflag:s9], $0x80  }
0x72: {  	[sflag:s9] =	ssyncset.done $0x0  }
0x73: {  	[sflag:s9] =	ssyncadd.s32 $0xFFFFFF80  }
0x74: {  	_ =	swait.ge [sflag:s9], $0x80  }
0x75: {  	[sflag:s9] =	ssyncset.done $0x0  }
0x76: {  	[sflag:s9] =	ssyncadd.s32 $0xFFFFFF80  }
0x77: {  	_ =	swait.ge [sflag:s9], $0x80  }
0x78: {  	v2 =	vmov s13;
	[sflag:s9] =	ssyncset.done $0x0  }
0x79: {  	[sflag:s9] =	ssyncadd.s32 $0xFFFFFF80  }
0x7a: {  	v1 =	vmov s14;
	_ =	swait.ge [sflag:s9], $0x80  }
0x7b: {  	[sflag:s9] =	ssyncset.done $0x0  }
0x7c: {  	s15 =	simm.s32 $0x0;
	[sflag:s9] =	ssyncadd.s32 $0xFFFFFF80  }
0x7d: {  	v3 =	vld.idx.msk [tilespmem:v2+s15+$0xFFFFFFC0 ss:$0x1], $0xffff;
	_ =	sdelay $0x1  }
0x7e: {  	v4 =	vld.idx.msk [tilespmem:v1+s15+$0xFFFFFF90 ss:$0x1], $0xffff;
	_ =	sdelay $0x2  }
0x7f: {  	v3 =	vshll.u32 v3, $0x3  }
0x80: {  	v3 =	vand.u32 $0x18, v3  }
0x81: {  	v3 =	vshrl.u32 v4, v3  }
0x82: {  	v3 =	vand.u32 $0xFF, v3  }
0x83: {  	vm0 =	vgt.u32 v3, $0x80  }
0x84: {  	v3 =	vsel vm0, $0x1, v0  }
0x85: {  	[tilespmem:v1+s15+$0xFFFFFF90 ss:$0x1] =	vst.idx.msk $0xffff, v3  }
0x86: {  	v3 =	vld.idx.msk [tilespmem:v2+s15+$0xFFFFFFD0 ss:$0x1], $0xffff;
	_ =	sdelay $0x1  }
0x87: {  	v4 =	vld.idx.msk [tilespmem:v1+s15+$0xFFFFFFA0 ss:$0x1], $0xffff;
	_ =	sdelay $0x2  }
0x88: {  	v3 =	vshll.u32 v3, $0x3  }
0x89: {  	v3 =	vand.u32 $0x18, v3  }
0x8a: {  	v3 =	vshrl.u32 v4, v3  }
0x8b: {  	v3 =	vand.u32 $0xFF, v3  }
0x8c: {  	vm9 =	vgt.u32 v3, $0x80  }
0x8d: {  	v3 =	vsel vm9, $0x1, v0  }
0x8e: {  	[tilespmem:v1+s15+$0xFFFFFFA0 ss:$0x1] =	vst.idx.msk $0xffff, v3  }
0x8f: {  	v3 =	vld.idx.msk [tilespmem:v2+s15+$0xFFFFFFE0 ss:$0x1], $0xffff;
	_ =	sdelay $0x1  }
0x90: {  	v4 =	vld.idx.msk [tilespmem:v1+s15+$0xFFFFFFB0 ss:$0x1], $0xffff;
	_ =	sdelay $0x2  }
0x91: {  	v3 =	vshll.u32 v3, $0x3  }
0x92: {  	v3 =	vand.u32 $0x18, v3  }
0x93: {  	v3 =	vshrl.u32 v4, v3  }
0x94: {  	v3 =	vand.u32 $0xFF, v3  }
0x95: {  	vm10 =	vgt.u32 v3, $0x80  }
0x96: {  	v3 =	vsel vm10, $0x1, v0  }
0x97: {  	[tilespmem:v1+s15+$0xFFFFFFB0 ss:$0x1] =	vst.idx.msk $0xffff, v3  }
0x98: {  	v3 =	vld.idx.msk [tilespmem:v2+s15+$0xFFFFFFF0 ss:$0x1], $0xffff;
	_ =	sdelay $0x1  }
0x99: {  	v4 =	vld.idx.msk [tilespmem:v1+s15+$0xFFFFFFC0 ss:$0x1], $0xffff;
	_ =	sdelay $0x2  }
0x9a: {  	v3 =	vshll.u32 v3, $0x3  }
0x9b: {  	v3 =	vand.u32 $0x18, v3  }
0x9c: {  	v3 =	vshrl.u32 v4, v3  }
0x9d: {  	v3 =	vand.u32 $0xFF, v3  }
0x9e: {  	vm11 =	vgt.u32 v3, $0x80  }
0x9f: {  	v3 =	vsel vm11, $0x1, v0  }
0xa0: {  	[tilespmem:v1+s15+$0xFFFFFFC0 ss:$0x1] =	vst.idx.msk $0xffff, v3  }
0xa1: {  	v3 =	vld.idx.msk [tilespmem:v2+s15+$0x0 ss:$0x1], $0xffff;
	_ =	sdelay $0x1  }
0xa2: {  	v4 =	vld.idx.msk [tilespmem:v1+s15+$0xFFFFFFD0 ss:$0x1], $0xffff;
	_ =	sdelay $0x2  }
0xa3: {  	v3 =	vshll.u32 v3, $0x3  }
0xa4: {  	v3 =	vand.u32 $0x18, v3  }
0xa5: {  	v3 =	vshrl.u32 v4, v3  }
0xa6: {  	v3 =	vand.u32 $0xFF, v3  }
0xa7: {  	vm12 =	vgt.u32 v3, $0x80  }
0xa8: {  	v3 =	vsel vm12, $0x1, v0  }
0xa9: {  	[tilespmem:v1+s15+$0xFFFFFFD0 ss:$0x1] =	vst.idx.msk $0xffff, v3  }
0xaa: {  	v3 =	vld.idx.msk [tilespmem:v2+s15+$0x10 ss:$0x1], $0xffff;
	_ =	sdelay $0x1  }
0xab: {  	v4 =	vld.idx.msk [tilespmem:v1+s15+$0xFFFFFFE0 ss:$0x1], $0xffff;
	_ =	sdelay $0x2  }
0xac: {  	v3 =	vshll.u32 v3, $0x3  }
0xad: {  	v3 =	vand.u32 $0x18, v3  }
0xae: {  	v3 =	vshrl.u32 v4, v3  }
0xaf: {  	v3 =	vand.u32 $0xFF, v3  }
0xb0: {  	vm13 =	vgt.u32 v3, $0x80  }
0xb1: {  	v3 =	vsel vm13, $0x1, v0  }
0xb2: {  	[tilespmem:v1+s15+$0xFFFFFFE0 ss:$0x1] =	vst.idx.msk $0xffff, v3  }
0xb3: {  	v3 =	vld.idx.msk [tilespmem:v2+s15+$0x20 ss:$0x1], $0xffff;
	_ =	sdelay $0x1  }
0xb4: {  	v4 =	vld.idx.msk [tilespmem:v1+s15+$0xFFFFFFF0 ss:$0x1], $0xffff;
	_ =	sdelay $0x2  }
0xb5: {  	v3 =	vshll.u32 v3, $0x3  }
0xb6: {  	v3 =	vand.u32 $0x18, v3  }
0xb7: {  	v3 =	vshrl.u32 v4, v3  }
0xb8: {  	v3 =	vand.u32 $0xFF, v3  }
0xb9: {  	vm14 =	vgt.u32 v3, $0x80  }
0xba: {  	v3 =	vsel vm14, $0x1, v0  }
0xbb: {  	[tilespmem:v1+s15+$0xFFFFFFF0 ss:$0x1] =	vst.idx.msk $0xffff, v3  }
0xbc: {  	v3 =	vld.idx.msk [tilespmem:v2+s15+$0x30 ss:$0x1], $0xffff;
	_ =	sdelay $0x1  }
0xbd: {  	v4 =	vld.idx.msk [tilespmem:v1+s15+$0x0 ss:$0x1], $0xffff;
	_ =	sdelay $0x2  }
0xbe: {  	v3 =	vshll.u32 v3, $0x3  }
0xbf: {  	v3 =	vand.u32 $0x18, v3  }
0xc0: {  	v3 =	vshrl.u32 v4, v3  }
0xc1: {  	v3 =	vand.u32 $0xFF, v3  }
0xc2: {  	vm15 =	vgt.u32 v3, $0x80  }
0xc3: {  	s16 =	simm.s32 $0x200;
	s17 =	simm.s32 $0x400;
	v3 =	vsel vm15, $0x1, v0  }
.LBB2_5:
0xc4: {  	p0 =	sne.s32 s17, $0x1E00  }
0xc5: {  	[tilespmem:v1+s15+$0x0 ss:$0x1] =	vst.idx.msk $0xffff, v3;
	s15 =	sshra.s32 s16, $0x2;
	s16 =	smov.u32 s17;
	s17 =	sadd.s32 $0x200, s17  }
0xc6: {  	v3 =	vld.idx.msk [tilespmem:v2+s15+$0xFFFFFFC0 ss:$0x1], $0xffff;
	_ =	sdelay $0x1  }
0xc7: {  	v4 =	vld.idx.msk [tilespmem:v1+s15+$0xFFFFFF90 ss:$0x1], $0xffff;
	_ =	sdelay $0x3  }
0xc8: {  	v3 =	vshll.u32 v3, $0x3  }
0xc9: {  	v3 =	vand.u32 $0x18, v3  }
0xca: {  	v3 =	vshrl.u32 v4, v3  }
0xcb: {  	v3 =	vand.u32 $0xFF, v3  }
0xcc: {  	vm0 =	vgt.u32 v3, $0x80  }
0xcd: {  	v3 =	vsel vm0, $0x1, v0  }
0xce: {  	[tilespmem:v1+s15+$0xFFFFFF90 ss:$0x1] =	vst.idx.msk $0xffff, v3  }
0xcf: {  	v3 =	vld.idx.msk [tilespmem:v2+s15+$0xFFFFFFD0 ss:$0x1], $0xffff;
	_ =	sdelay $0x1  }
0xd0: {  	v4 =	vld.idx.msk [tilespmem:v1+s15+$0xFFFFFFA0 ss:$0x1], $0xffff;
	_ =	sdelay $0x3  }
0xd1: {  	v3 =	vshll.u32 v3, $0x3  }
0xd2: {  	v3 =	vand.u32 $0x18, v3  }
0xd3: {  	v3 =	vshrl.u32 v4, v3  }
0xd4: {  	v3 =	vand.u32 $0xFF, v3  }
0xd5: {  	vm0 =	vgt.u32 v3, $0x80  }
0xd6: {  	v3 =	vsel vm0, $0x1, v0  }
0xd7: {  	[tilespmem:v1+s15+$0xFFFFFFA0 ss:$0x1] =	vst.idx.msk $0xffff, v3  }
0xd8: {  	v3 =	vld.idx.msk [tilespmem:v2+s15+$0xFFFFFFE0 ss:$0x1], $0xffff;
	_ =	sdelay $0x1  }
0xd9: {  	v4 =	vld.idx.msk [tilespmem:v1+s15+$0xFFFFFFB0 ss:$0x1], $0xffff;
	_ =	sdelay $0x3  }
0xda: {  	v3 =	vshll.u32 v3, $0x3  }
0xdb: {  	v3 =	vand.u32 $0x18, v3  }
0xdc: {  	v3 =	vshrl.u32 v4, v3  }
0xdd: {  	v3 =	vand.u32 $0xFF, v3  }
0xde: {  	vm0 =	vgt.u32 v3, $0x80  }
0xdf: {  	v3 =	vsel vm0, $0x1, v0  }
0xe0: {  	[tilespmem:v1+s15+$0xFFFFFFB0 ss:$0x1] =	vst.idx.msk $0xffff, v3  }
0xe1: {  	v3 =	vld.idx.msk [tilespmem:v2+s15+$0xFFFFFFF0 ss:$0x1], $0xffff;
	_ =	sdelay $0x1  }
0xe2: {  	v4 =	vld.idx.msk [tilespmem:v1+s15+$0xFFFFFFC0 ss:$0x1], $0xffff;
	_ =	sdelay $0x3  }
0xe3: {  	v3 =	vshll.u32 v3, $0x3  }
0xe4: {  	v3 =	vand.u32 $0x18, v3  }
0xe5: {  	v3 =	vshrl.u32 v4, v3  }
0xe6: {  	v3 =	vand.u32 $0xFF, v3  }
0xe7: {  	vm0 =	vgt.u32 v3, $0x80  }
0xe8: {  	v3 =	vsel vm0, $0x1, v0  }
0xe9: {  	[tilespmem:v1+s15+$0xFFFFFFC0 ss:$0x1] =	vst.idx.msk $0xffff, v3  }
0xea: {  	v3 =	vld.idx.msk [tilespmem:v2+s15+$0x0 ss:$0x1], $0xffff;
	_ =	sdelay $0x1  }
0xeb: {  	v4 =	vld.idx.msk [tilespmem:v1+s15+$0xFFFFFFD0 ss:$0x1], $0xffff;
	_ =	sdelay $0x3  }
0xec: {  	v3 =	vshll.u32 v3, $0x3  }
0xed: {  	v3 =	vand.u32 $0x18, v3  }
0xee: {  	v3 =	vshrl.u32 v4, v3  }
0xef: {  	v3 =	vand.u32 $0xFF, v3  }
0xf0: {  	vm0 =	vgt.u32 v3, $0x80  }
0xf1: {  	v3 =	vsel vm0, $0x1, v0  }
0xf2: {  	[tilespmem:v1+s15+$0xFFFFFFD0 ss:$0x1] =	vst.idx.msk $0xffff, v3  }
0xf3: {  	v3 =	vld.idx.msk [tilespmem:v2+s15+$0x10 ss:$0x1], $0xffff  }
0xf4: {  	v4 =	vld.idx.msk [tilespmem:v1+s15+$0xFFFFFFE0 ss:$0x1], $0xffff;
	_ =	sdelay $0x4  }
0xf5: {  	v3 =	vshll.u32 v3, $0x3  }
0xf6: {  	v3 =	vand.u32 $0x18, v3  }
0xf7: {  	v3 =	vshrl.u32 v4, v3  }
0xf8: {  	v3 =	vand.u32 $0xFF, v3  }
0xf9: {  	vm0 =	vgt.u32 v3, $0x80  }
0xfa: {  	v3 =	vsel vm0, $0x1, v0  }
0xfb: {  	[tilespmem:v1+s15+$0xFFFFFFE0 ss:$0x1] =	vst.idx.msk $0xffff, v3  }
0xfc: {  	v3 =	vld.idx.msk [tilespmem:v2+s15+$0x20 ss:$0x1], $0xffff  }
0xfd: {  	v4 =	vld.idx.msk [tilespmem:v1+s15+$0xFFFFFFF0 ss:$0x1], $0xffff;
	_ =	sdelay $0x4  }
0xfe: {  	v3 =	vshll.u32 v3, $0x3  }
0xff: {  	v3 =	vand.u32 $0x18, v3  }
0x100: {  	v3 =	vshrl.u32 v4, v3  }
0x101: {  	v3 =	vand.u32 $0xFF, v3  }
0x102: {  	vm0 =	vgt.u32 v3, $0x80  }
0x103: {  	v3 =	vsel vm0, $0x1, v0  }
0x104: {  	[tilespmem:v1+s15+$0xFFFFFFF0 ss:$0x1] =	vst.idx.msk $0xffff, v3  }
0x105: {  	v3 =	vld.idx.msk [tilespmem:v2+s15+$0x30 ss:$0x1], $0xffff  }
0x106: {  	v4 =	vld.idx.msk [tilespmem:v1+s15+$0x0 ss:$0x1], $0xffff;
	_ =	sdelay $0x4  }
0x107: {  	v3 =	vshll.u32 v3, $0x3  }
.Ltmp1:
0x108: {  	v3 =	vand.u32 $0x18, v3;
	(pc) =	sbr.rel @p0 .LBB2_5-.Ltmp1, $4  }
0x109: {  	v3 =	vshrl.u32 v4, v3  }
0x10a: {  	v3 =	vand.u32 $0xFF, v3  }
0x10b: {  	vm0 =	vgt.u32 v3, $0x80  }
0x10c: {  	v3 =	vsel vm0, $0x1, v0  }
0x10d: {  	_ =	sdelay $0x3  }
0x10e: {  	s16 =	sshra.s32 s16, $0x2;
	[tilespmem:v1+s15+$0x0 ss:$0x1] =	vst.idx.msk $0xffff, v3  }
0x10f: {  	v3 =	vld.idx.msk [tilespmem:v2+s16+$0xFFFFFFC0 ss:$0x1], $0xffff;
	_ =	sdelay $0x1  }
0x110: {  	v4 =	vld.idx.msk [tilespmem:v1+s16+$0xFFFFFF90 ss:$0x1], $0xffff;
	_ =	sdelay $0x2  }
0x111: {  	v3 =	vshll.u32 v3, $0x3  }
0x112: {  	v3 =	vand.u32 $0x18, v3  }
0x113: {  	v3 =	vshrl.u32 v4, v3  }
0x114: {  	v3 =	vand.u32 $0xFF, v3  }
0x115: {  	vm0 =	vgt.u32 v3, $0x80  }
0x116: {  	v3 =	vsel vm0, $0x1, v0  }
0x117: {  	[tilespmem:v1+s16+$0xFFFFFF90 ss:$0x1] =	vst.idx.msk $0xffff, v3  }
0x118: {  	v3 =	vld.idx.msk [tilespmem:v2+s16+$0xFFFFFFD0 ss:$0x1], $0xffff;
	_ =	sdelay $0x1  }
0x119: {  	v58 =	vld.idx.msk [tilespmem:v1+s16+$0xFFFFFFA0 ss:$0x1], $0xffff;
	_ =	sdelay $0x2  }
0x11a: {  	v3 =	vshll.u32 v3, $0x3  }
0x11b: {  	v3 =	vand.u32 $0x18, v3  }
0x11c: {  	v3 =	vshrl.u32 v58, v3  }
0x11d: {  	v3 =	vand.u32 $0xFF, v3  }
0x11e: {  	vm9 =	vgt.u32 v3, $0x80  }
0x11f: {  	v3 =	vsel vm9, $0x1, v0  }
0x120: {  	[tilespmem:v1+s16+$0xFFFFFFA0 ss:$0x1] =	vst.idx.msk $0xffff, v3  }
0x121: {  	v3 =	vld.idx.msk [tilespmem:v2+s16+$0xFFFFFFE0 ss:$0x1], $0xffff;
	_ =	sdelay $0x1  }
0x122: {  	v59 =	vld.idx.msk [tilespmem:v1+s16+$0xFFFFFFB0 ss:$0x1], $0xffff;
	_ =	sdelay $0x2  }
0x123: {  	v3 =	vshll.u32 v3, $0x3  }
0x124: {  	v3 =	vand.u32 $0x18, v3  }
0x125: {  	v3 =	vshrl.u32 v59, v3  }
0x126: {  	v3 =	vand.u32 $0xFF, v3  }
0x127: {  	vm10 =	vgt.u32 v3, $0x80  }
0x128: {  	v3 =	vsel vm10, $0x1, v0  }
0x129: {  	[tilespmem:v1+s16+$0xFFFFFFB0 ss:$0x1] =	vst.idx.msk $0xffff, v3  }
0x12a: {  	v3 =	vld.idx.msk [tilespmem:v2+s16+$0xFFFFFFF0 ss:$0x1], $0xffff;
	_ =	sdelay $0x1  }
0x12b: {  	v60 =	vld.idx.msk [tilespmem:v1+s16+$0xFFFFFFC0 ss:$0x1], $0xffff;
	_ =	sdelay $0x2  }
0x12c: {  	v3 =	vshll.u32 v3, $0x3  }
0x12d: {  	v3 =	vand.u32 $0x18, v3  }
0x12e: {  	v3 =	vshrl.u32 v60, v3  }
0x12f: {  	v3 =	vand.u32 $0xFF, v3  }
0x130: {  	vm11 =	vgt.u32 v3, $0x80  }
0x131: {  	v3 =	vsel vm11, $0x1, v0  }
0x132: {  	[tilespmem:v1+s16+$0xFFFFFFC0 ss:$0x1] =	vst.idx.msk $0xffff, v3  }
0x133: {  	v3 =	vld.idx.msk [tilespmem:v2+s16+$0x0 ss:$0x1], $0xffff;
	_ =	sdelay $0x1  }
0x134: {  	v61 =	vld.idx.msk [tilespmem:v1+s16+$0xFFFFFFD0 ss:$0x1], $0xffff;
	_ =	sdelay $0x2  }
0x135: {  	v3 =	vshll.u32 v3, $0x3  }
0x136: {  	v3 =	vand.u32 $0x18, v3  }
0x137: {  	v3 =	vshrl.u32 v61, v3  }
0x138: {  	v3 =	vand.u32 $0xFF, v3  }
0x139: {  	vm12 =	vgt.u32 v3, $0x80  }
0x13a: {  	v3 =	vsel vm12, $0x1, v0  }
0x13b: {  	[tilespmem:v1+s16+$0xFFFFFFD0 ss:$0x1] =	vst.idx.msk $0xffff, v3  }
0x13c: {  	v3 =	vld.idx.msk [tilespmem:v2+s16+$0x10 ss:$0x1], $0xffff;
	_ =	sdelay $0x1  }
0x13d: {  	v62 =	vld.idx.msk [tilespmem:v1+s16+$0xFFFFFFE0 ss:$0x1], $0xffff;
	_ =	sdelay $0x2  }
0x13e: {  	v3 =	vshll.u32 v3, $0x3  }
0x13f: {  	v3 =	vand.u32 $0x18, v3  }
0x140: {  	v3 =	vshrl.u32 v62, v3  }
0x141: {  	v3 =	vand.u32 $0xFF, v3  }
0x142: {  	vm13 =	vgt.u32 v3, $0x80  }
0x143: {  	v3 =	vsel vm13, $0x1, v0  }
0x144: {  	[tilespmem:v1+s16+$0xFFFFFFE0 ss:$0x1] =	vst.idx.msk $0xffff, v3  }
0x145: {  	v3 =	vld.idx.msk [tilespmem:v2+s16+$0x20 ss:$0x1], $0xffff;
	_ =	sdelay $0x1  }
0x146: {  	v63 =	vld.idx.msk [tilespmem:v1+s16+$0xFFFFFFF0 ss:$0x1], $0xffff;
	_ =	sdelay $0x2  }
0x147: {  	v3 =	vshll.u32 v3, $0x3  }
0x148: {  	v3 =	vand.u32 $0x18, v3  }
0x149: {  	v3 =	vshrl.u32 v63, v3  }
0x14a: {  	v3 =	vand.u32 $0xFF, v3  }
0x14b: {  	vm14 =	vgt.u32 v3, $0x80  }
0x14c: {  	v3 =	vsel vm14, $0x1, v0  }
0x14d: {  	[tilespmem:v1+s16+$0xFFFFFFF0 ss:$0x1] =	vst.idx.msk $0xffff, v3  }
0x14e: {  	v2 =	vld.idx.msk [tilespmem:v2+s16+$0x30 ss:$0x1], $0xffff;
	_ =	sdelay $0x1  }
0x14f: {  	v3 =	vld.idx.msk [tilespmem:v1+s16+$0x0 ss:$0x1], $0xffff;
	_ =	sdelay $0x2  }
0x150: {  	s12 =	sadd.s32 $0x1, s12;
	v2 =	vshll.u32 v2, $0x3  }
0x151: {  	p0 =	sne.s32 s12, $0x10;
	v2 =	vand.u32 $0x18, v2  }
.Ltmp2:
0x152: {  	v2 =	vshrl.u32 v3, v2;
	(pc) =	sbr.rel @p0 .LBB2_4-.Ltmp2, $4  }
0x153: {  	v2 =	vand.u32 $0xFF, v2  }
0x154: {  	vm15 =	vgt.u32 v2, $0x80  }
0x155: {  	v2 =	vsel vm15, $0x1, v0  }
0x156: {  	s13 =	sadd.s32 $0x800, s13;
	s14 =	sadd.s32 $0x800, s14;
	[tilespmem:v1+s16+$0x0 ss:$0x1] =	vst.idx.msk $0xffff, v2  }
0x157: {  	s11 =	sadd.s32 $0x1, s11  }
0x158: {  	p0 =	sne.s32 s11, s6  }
.Ltmp3:
0x159: {  	_ = 	snop;
	(pc) =	sbr.rel @p0 .LBB2_1-.Ltmp3, $4  }
0x15a: {  	[hbm4b:s5+s2] =	stream.linear.scatter [tilespmem:s10], [sflag:$0x2], $0x8000, $0x38;
	[tilespmem:$0x18000] =	vst v63  }
0x15b: {  	_ =	swait.ge [sflag:s7], $0x8000  }
0x15c: {  	[sflag:s7] =	ssyncset.done $0x0  }
0x15d: {  	[sflag:s7] =	ssyncadd.s32 $0xFFFF8000  }
0x15e: {  	_ =	sfence.sel $0x180000  }
0x15f: {  	[bflag:$0x0] =	sbarrier.arrive $0xFFFF  }
0x160: {  	p0 =	sne.s32 s1, $0x0;
	_ =	strace $0x90000047  }
0x161: {  	s0 =	sadd.s32 @!p0 $0x100000, s0;
	[bflag:$0x2] =	sbarrier.arrive $0xFFFF  }
0x162: {  	[sflag:s0] =	ssyncadd.tile.s32 @!p0 $0x1;
	_ =	shalt  }
.Lfunc_end2:
_tile_overlayer_lowered:
.L_overlay_start_2:
0x163: {  	(tag) =	ssettag $0x2  }
0x164: {  	s0 =	rddreg [dreg:$0x0];
	s2 =	stileid.u32  }
0x165: {  	s1 =	rddreg [dreg:$0x1];
	p0 =	sne.s32 s2, $0x0  }
0x166: {  	s3 =	rddreg [dreg:$0x2];
	[bflag:$0x3] =	sbarrier.arrive $0xFFFF;
	s2 =	simm.s32 @!p0 $0x1C02  }
0x167: {  	[timem:s3], [sflag:s2] =	dma.local @!p0 [hbm:s0], s1  }
0x168: {  	s0 =	simm.s32 @!p0 $0x2  }
0x169: {  	_ =	swait.ge @!p0 [sflag:s0], s1  }
0x16a: {  	s1 =	ssub.s32 @!p0 $0x0, s1;
	[sflag:s0] =	ssyncset.done @!p0 $0x0  }
0x16b: {  	[sflag:s0] =	ssyncadd.s32 @!p0 s1  }
0x16c: {  	[bflag:$0x3] =	sbarrier.arrive $0xFFFF  }
0x16d: {  	_ =	shalt  }

</sc_bundles>
